<compile_context>
chip_gen: v7x
topology: tpu7x:2x2x1
jax: 0.10.2.dev20260603
libtpu: 0.0.44.dev20260713+nightly
codegen_flags: <defaults>
</compile_context>

<pallas_src>
import functools
import math

import jax
import jax.numpy as jnp
from jax import lax
from jax.experimental import pallas as pl
from jax.experimental.pallas import tpu as pltpu
from jax.experimental.pallas import tpu_sc as plsc

NUM_EMB = 1000000
DIM = 64
MAX_LEN = 5000
BATCH = 4096
SEQ = 200

ROWS = BATCH * SEQ
CHUNK = 128
NCHUNKS = ROWS // CHUNK
PE_EXT = SEQ + CHUNK


def _pos_embedding_ext():
    position = jnp.arange(0, SEQ, dtype=jnp.float32)[:, None]
    div_term = jnp.arange(0, DIM, 2, dtype=jnp.float32)
    div_term = jnp.exp(div_term * (-math.log(10000.0) / DIM))
    pe = jnp.zeros((SEQ, DIM), dtype=jnp.float32)
    pe = pe.at[:, 0::2].set(jnp.sin(position * div_term))
    pe = pe.at[:, 1::2].set(jnp.cos(position * div_term))
    return jnp.concatenate([pe, pe[:CHUNK]], axis=0)


def kernel(data, table):
    info = plsc.get_sparse_core_info()
    nc, ns = info.num_cores, info.num_subcores
    nw = nc * ns
    chunks_per_w = NCHUNKS // nw
    rows_per_w = chunks_per_w * CHUNK

    idx2d = data.reshape(NCHUNKS, CHUNK).astype(jnp.int32)
    pe_ext = _pos_embedding_ext()

    mesh = plsc.VectorSubcoreMesh(core_axis_name="c", subcore_axis_name="s")

    @functools.partial(
        pl.kernel,
        mesh=mesh,
        compiler_params=pltpu.CompilerParams(use_tc_tiling_on_sc=False),
        out_type=jax.ShapeDtypeStruct((ROWS, DIM), jnp.float32),
        scratch_types=[
            pltpu.VMEM((chunks_per_w, CHUNK), jnp.int32),
            pltpu.VMEM((PE_EXT, DIM), jnp.float32),
            pltpu.VMEM((CHUNK, DIM), jnp.float32),
            pltpu.VMEM((CHUNK, DIM), jnp.float32),
            pltpu.SemaphoreType.DMA,
            pltpu.SemaphoreType.DMA,
            pltpu.SemaphoreType.DMA,
            pltpu.SemaphoreType.DMA,
        ],
    )
    def emb_kernel(idx_hbm, table_hbm, pe_hbm, out_hbm,
                   idx_v, pe_v, buf0, buf1, gsem0, gsem1, ssem0, ssem1):
        wid = lax.axis_index("s") * nc + lax.axis_index("c")
        cbase = wid * chunks_per_w
        obase = wid * rows_per_w

        pltpu.sync_copy(idx_hbm.at[pl.ds(cbase, chunks_per_w)], idx_v)
        pltpu.sync_copy(pe_hbm, pe_v)

        def start_gather(c, buf, gsem):
            pltpu.make_async_copy(table_hbm.at[idx_v.at[c]], buf, gsem).start()

        def wait_gather(c, buf, gsem):
            pltpu.make_async_copy(table_hbm.at[idx_v.at[c]], buf, gsem).wait()

        def start_store(c, buf, ssem):
            pltpu.make_async_copy(
                buf, out_hbm.at[pl.ds(obase + c * CHUNK, CHUNK)], ssem).start()

        def wait_store(c, buf, ssem):
            pltpu.make_async_copy(
                buf, out_hbm.at[pl.ds(obase + c * CHUNK, CHUNK)], ssem).wait()

        def add_pe(buf, p0):
            def body(i, carry):
                s = p0 + i
                for j in range(4):
                    sl = pl.ds(j * 16, 16)
                    plsc.addupdate(buf.at[i, sl], pe_v[s, sl])
                return carry
            lax.fori_loop(0, CHUNK, body, 0, unroll=8)

        def step(c, buf, gsem, ssem, nbuf, ngsem, nssem):
            @pl.when(c + 1 < chunks_per_w)
            def _():
                @pl.when(c >= 1)
                def _():
                    wait_store(c - 1, nbuf, nssem)
                start_gather(c + 1, nbuf, ngsem)

            wait_gather(c, buf, gsem)
            add_pe(buf, lax.rem(c * CHUNK, SEQ))
            start_store(c, buf, ssem)

        start_gather(0, buf0, gsem0)

        def outer(g, carry):
            step(2 * g, buf0, gsem0, ssem0, buf1, gsem1, ssem1)
            step(2 * g + 1, buf1, gsem1, ssem1, buf0, gsem0, ssem0)
            return carry

        lax.fori_loop(0, chunks_per_w // 2, outer, 0)

        wait_store(chunks_per_w - 2, buf0, ssem0)
        wait_store(chunks_per_w - 1, buf1, ssem1)

    out = emb_kernel(idx2d, table, pe_ext)
    return out.reshape(BATCH, SEQ, DIM)

# --- scband reference (transcript-rebuilt; emitter-appended) ---
"""Pipeline reference for scband-embeddings-31842887533124 (READ-ONLY COPY).

The authoritative reference and input builder live on the scoring server;
editing this copy changes nothing except your own understanding.
"""

import jax, jax.numpy as jnp
import numpy as np
import math

NUM_EMBEDDINGS = 1000000
EMBEDDING_DIM = 64
PADDING_IDX = 0
MAX_LEN = 5000
BATCH = 4096
SEQ = 200


def _sinusoidal_pos_embedding(max_len, dim):
    position = jnp.arange(0, max_len, dtype=jnp.float32)[:, None]
    div_term = jnp.arange(0, dim, 2, dtype=jnp.float32)
    div_term = jnp.exp(div_term * (-math.log(10000.0) / dim))
    pe = jnp.zeros((max_len, dim), dtype=jnp.float32)
    pe = pe.at[:, 0::2].set(jnp.sin(position * div_term))
    pe = pe.at[:, 1::2].set(jnp.cos(position * div_term))
    return pe


def setup_inputs(seed: int = 0) -> dict:
    key = jax.random.key(seed)
    k1, k2 = jax.random.split(key)
    data = jax.random.randint(k1, (BATCH, SEQ), 0, NUM_EMBEDDINGS, dtype=jnp.int64 if jax.config.read('jax_enable_x64') else jnp.int32)
    table = jax.random.normal(k2, (NUM_EMBEDDINGS, EMBEDDING_DIM), dtype=jnp.float32)
    # padding_idx row initialized to zeros, matching nn.Embedding semantics
    table = table.at[PADDING_IDX].set(0.0)
    return {"data": data, "table": table}


def reference(data, table):
    # token embedding lookup (gather)
    tok = jnp.take(table, data, axis=0)  # [B, S, D]
    # frozen sinusoidal positional embedding, looked up by position index
    pe = _sinusoidal_pos_embedding(MAX_LEN, EMBEDDING_DIM)
    positions = jnp.arange(data.shape[1])
    pos = jnp.take(pe, positions, axis=0)  # [S, D]
    return tok + pos[None, :, :]

if __name__ == "__main__":
    import jax
    _d = setup_inputs()
    print(jax.jit(kernel)(*tuple(_d.values())))

</pallas_src>

<mosaic_0001>
#map = affine_map<(d0, d1) -> (0, 0)>
module attributes {stable_mosaic.version = 14 : i64} {
  func.func @emb_kernel(%arg0: i32, %arg1: i32, %arg2: memref<6400x128xi32, #tpu.memory_space<hbm>>, %arg3: memref<1000000x64xf32, #tpu.memory_space<hbm>>, %arg4: memref<328x64xf32, #tpu.memory_space<hbm>>, %arg5: memref<819200x64xf32, #tpu.memory_space<hbm>>, %arg6: memref<200x128xi32, #tpu.memory_space<vmem>>, %arg7: memref<328x64xf32, #tpu.memory_space<vmem>>, %arg8: memref<128x64xf32, #tpu.memory_space<vmem>>, %arg9: memref<128x64xf32, #tpu.memory_space<vmem>>, %arg10: memref<!tpu.dma_semaphore, #tpu.memory_space<semaphore_mem>>, %arg11: memref<!tpu.dma_semaphore, #tpu.memory_space<semaphore_mem>>, %arg12: memref<!tpu.dma_semaphore, #tpu.memory_space<semaphore_mem>>, %arg13: memref<!tpu.dma_semaphore, #tpu.memory_space<semaphore_mem>>) attributes {dimension_semantics = [#tpu.dimension_semantics<core_parallel>, #tpu.dimension_semantics<subcore_parallel>], iteration_bounds = array<i64: 2, 16>, scalar_prefetch = 0 : i64, scratch_operands = 8 : i64, tpu.core_type = #tpu.core_type<sc_vector_subcore>, window_params = [{transform_indices = #map}, {transform_indices = #map}, {transform_indices = #map}, {transform_indices = #map}]} {
    %mul3A = arith.constant 2 : i32
    %mul3A_0 = arith.muli %arg1, %mul3A : i32
    %add3A = arith.addi %mul3A_0, %arg0 : i32
    %mul3A_1 = arith.constant 200 : i32
    %mul3A_2 = arith.muli %add3A, %mul3A_1 : i32
    %mul3A_3 = arith.constant 25600 : i32
    %mul3A_4 = arith.muli %add3A, %mul3A_3 : i32
    "tpu.region"() ({
      %run_scoped3A = tpu.sem_alloc : memref<!tpu.dma_semaphore, #tpu.memory_space<semaphore_mem>>
      %dma_start3A_27 = arith.constant 0 : i32
      %dma_start3A_28 = tpu.memref_slice %arg2[%mul3A_2, %dma_start3A_27] : memref<6400x128xi32, #tpu.memory_space<hbm>> -> memref<200x128xi32, #tpu.memory_space<hbm>>
      %dma_start3A_29 = arith.constant 0 : i32
      %dma_start3A_30 = tpu.memref_slice %arg2[%mul3A_2, %dma_start3A_29] : memref<6400x128xi32, #tpu.memory_space<hbm>> -> memref<200x128xi32, #tpu.memory_space<hbm>>
      tpu.enqueue_dma source(%dma_start3A_30 : memref<200x128xi32, #tpu.memory_space<hbm>>) target(%arg6 : memref<200x128xi32, #tpu.memory_space<vmem>>) target_semaphore(%run_scoped3A : memref<!tpu.dma_semaphore, #tpu.memory_space<semaphore_mem>>)
      %dma_wait3A_31 = arith.constant 0 : i32
      %dma_wait3A_32 = tpu.memref_slice %arg2[%mul3A_2, %dma_wait3A_31] : memref<6400x128xi32, #tpu.memory_space<hbm>> -> memref<200x128xi32, #tpu.memory_space<hbm>>
      %dma_wait3A_33 = arith.constant 0 : i32
      %dma_wait3A_34 = tpu.memref_slice %arg2[%mul3A_2, %dma_wait3A_33] : memref<6400x128xi32, #tpu.memory_space<hbm>> -> memref<200x128xi32, #tpu.memory_space<hbm>>
      tpu.wait_dma2 semaphore(%run_scoped3A : memref<!tpu.dma_semaphore, #tpu.memory_space<semaphore_mem>>) src(%dma_wait3A_34 : memref<200x128xi32, #tpu.memory_space<hbm>>) dst(%arg6 : memref<200x128xi32, #tpu.memory_space<vmem>>)
      tpu.yield
    }) : () -> ()
    "tpu.region"() ({
      %run_scoped3A = tpu.sem_alloc : memref<!tpu.dma_semaphore, #tpu.memory_space<semaphore_mem>>
      tpu.enqueue_dma source(%arg4 : memref<328x64xf32, #tpu.memory_space<hbm>>) target(%arg7 : memref<328x64xf32, #tpu.memory_space<vmem>>) target_semaphore(%run_scoped3A : memref<!tpu.dma_semaphore, #tpu.memory_space<semaphore_mem>>)
      tpu.wait_dma2 semaphore(%run_scoped3A : memref<!tpu.dma_semaphore, #tpu.memory_space<semaphore_mem>>) src(%arg4 : memref<328x64xf32, #tpu.memory_space<hbm>>) dst(%arg7 : memref<328x64xf32, #tpu.memory_space<vmem>>)
      tpu.yield
    }) : () -> ()
    %dma_start3A = arith.constant 0 : i32
    %dma_start3A_5 = arith.constant 0 : i32
    %dma_start3A_6 = tpu.memref_slice %arg6[%dma_start3A, %dma_start3A_5] : memref<200x128xi32, #tpu.memory_space<vmem>> -> memref<1x128xi32, #tpu.memory_space<vmem>>
    %dma_start3A_7 = tpu.memref_squeeze %dma_start3A_6 : memref<1x128xi32, #tpu.memory_space<vmem>> -> memref<128xi32, #tpu.memory_space<vmem>>
    %dma_start3A_8 = arith.constant 0 : i32
    %dma_start3A_9 = arith.constant 0 : i32
    %dma_start3A_10 = tpu.memref_slice %arg3[%dma_start3A_8, %dma_start3A_9] : memref<1000000x64xf32, #tpu.memory_space<hbm>> -> memref<1000000x64xf32, #tpu.memory_space<hbm>>
    tpu.enqueue_indirect_dma source(%dma_start3A_10 : memref<1000000x64xf32, #tpu.memory_space<hbm>>) target(%arg8 : memref<128x64xf32, #tpu.memory_space<vmem>>) offsets(%dma_start3A_7 : memref<128xi32, #tpu.memory_space<vmem>>) semaphore(%arg10 : memref<!tpu.dma_semaphore, #tpu.memory_space<semaphore_mem>>)
    %scan3A = arith.constant 0 : i32
    %scan3A_11 = arith.constant 0 : i32
    %scan3A_12 = arith.constant 100 : i32
    %scan3A_13 = arith.addi %scan3A_11, %scan3A_12 : i32
    %scan3A_14 = arith.constant 1 : i32
    scf.for %scan3A_27 = %scan3A_11 to %scan3A_13 step %scan3A_14  : i32 {
      %mul3A_28 = arith.constant 2 : i32
      %mul3A_29 = arith.muli %mul3A_28, %scan3A_27 : i32
      %add3A_30 = arith.constant 1 : i32
      %add3A_31 = arith.addi %mul3A_29, %add3A_30 : i32
      %lt3A = arith.constant 200 : i32
      %lt3A_32 = arith.cmpi slt, %add3A_31, %lt3A : i32
      %convert_element_type3A = arith.extui %lt3A_32 : i1 to i32
      %cond3A = arith.constant 0 : i32
      %cond3A_33 = arith.cmpi ne, %convert_element_type3A, %cond3A : i32
      scf.if %cond3A_33 {
        %ge3A = arith.constant 1 : i32
        %ge3A_90 = arith.cmpi sge, %mul3A_29, %ge3A : i32
        %convert_element_type3A_91 = arith.extui %ge3A_90 : i1 to i32
        %cond3A_92 = arith.constant 0 : i32
        %cond3A_93 = arith.cmpi ne, %convert_element_type3A_91, %cond3A_92 : i32
        scf.if %cond3A_93 {
          %sub3A = arith.constant 1 : i32
          %sub3A_102 = arith.subi %mul3A_29, %sub3A : i32
          %mul3A_103 = arith.constant 128 : i32
          %mul3A_104 = arith.muli %sub3A_102, %mul3A_103 : i32
          %add3A_105 = arith.addi %mul3A_4, %mul3A_104 : i32
          %dma_wait3A_106 = arith.constant 0 : i32
          %dma_wait3A_107 = tpu.memref_slice %arg5[%add3A_105, %dma_wait3A_106] : memref<819200x64xf32, #tpu.memory_space<hbm>> -> memref<128x64xf32, #tpu.memory_space<hbm>>
          %dma_wait3A_108 = arith.constant 0 : i32
          %dma_wait3A_109 = tpu.memref_slice %arg5[%add3A_105, %dma_wait3A_108] : memref<819200x64xf32, #tpu.memory_space<hbm>> -> memref<128x64xf32, #tpu.memory_space<hbm>>
          tpu.wait_dma2 semaphore(%arg13 : memref<!tpu.dma_semaphore, #tpu.memory_space<semaphore_mem>>) src(%arg9 : memref<128x64xf32, #tpu.memory_space<vmem>>) dst(%dma_wait3A_109 : memref<128x64xf32, #tpu.memory_space<hbm>>)
        } else {
        }
        %add3A_94 = arith.constant 1 : i32
        %add3A_95 = arith.addi %mul3A_29, %add3A_94 : i32
        %dma_start3A_96 = arith.constant 0 : i32
        %dma_start3A_97 = tpu.memref_slice %arg6[%add3A_95, %dma_start3A_96] : memref<200x128xi32, #tpu.memory_space<vmem>> -> memref<1x128xi32, #tpu.memory_space<vmem>>
        %dma_start3A_98 = tpu.memref_squeeze %dma_start3A_97 : memref<1x128xi32, #tpu.memory_space<vmem>> -> memref<128xi32, #tpu.memory_space<vmem>>
        %dma_start3A_99 = arith.constant 0 : i32
        %dma_start3A_100 = arith.constant 0 : i32
        %dma_start3A_101 = tpu.memref_slice %arg3[%dma_start3A_99, %dma_start3A_100] : memref<1000000x64xf32, #tpu.memory_space<hbm>> -> memref<1000000x64xf32, #tpu.memory_space<hbm>>
        tpu.enqueue_indirect_dma source(%dma_start3A_101 : memref<1000000x64xf32, #tpu.memory_space<hbm>>) target(%arg9 : memref<128x64xf32, #tpu.memory_space<vmem>>) offsets(%dma_start3A_98 : memref<128xi32, #tpu.memory_space<vmem>>) semaphore(%arg11 : memref<!tpu.dma_semaphore, #tpu.memory_space<semaphore_mem>>)
      } else {
      }
      %dma_wait3A_34 = arith.constant 0 : i32
      %dma_wait3A_35 = tpu.memref_slice %arg6[%mul3A_29, %dma_wait3A_34] : memref<200x128xi32, #tpu.memory_space<vmem>> -> memref<1x128xi32, #tpu.memory_space<vmem>>
      %dma_wait3A_36 = tpu.memref_squeeze %dma_wait3A_35 : memref<1x128xi32, #tpu.memory_space<vmem>> -> memref<128xi32, #tpu.memory_space<vmem>>
      %dma_wait3A_37 = arith.constant 0 : i32
      %dma_wait3A_38 = arith.constant 0 : i32
      %dma_wait3A_39 = tpu.memref_slice %arg3[%dma_wait3A_37, %dma_wait3A_38] : memref<1000000x64xf32, #tpu.memory_space<hbm>> -> memref<1000000x64xf32, #tpu.memory_space<hbm>>
      tpu.wait_indirect_dma semaphore(%arg10 : memref<!tpu.dma_semaphore, #tpu.memory_space<semaphore_mem>>) src(%dma_wait3A_39 : memref<1000000x64xf32, #tpu.memory_space<hbm>>) dst(%arg8 : memref<128x64xf32, #tpu.memory_space<vmem>>)
      %mul3A_40 = arith.constant 128 : i32
      %mul3A_41 = arith.muli %mul3A_29, %mul3A_40 : i32
      %rem3A = arith.constant 200 : i32
      %rem3A_42 = arith.remsi %mul3A_41, %rem3A : i32
      %scan3A_43 = arith.constant 0 : i32
      %scan3A_44 = arith.constant 0 : i32
      %scan3A_45 = arith.constant 128 : i32
      %scan3A_46 = arith.addi %scan3A_44, %scan3A_45 : i32
      %scan3A_47 = arith.constant 8 : i32
      scf.for %scan3A_90 = %scan3A_44 to %scan3A_46 step %scan3A_47  : i32 {
        %add3A_91 = arith.addi %rem3A_42, %scan3A_90 : i32
        %get3A = arith.index_cast %add3A_91 : i32 to index
        %get3A_92 = arith.constant 0 : index
        %get3A_93 = tpu.vector_load %arg7[%get3A, %get3A_92] {strides = array<i32>} : memref<328x64xf32, #tpu.memory_space<vmem>>, vector<1x16xf32>,
        %get3A_94 = vector.shape_cast %get3A_93 : vector<1x16xf32> to vector<16xf32>
        %swap3A = arith.index_cast %scan3A_90 : i32 to index
        %swap3A_95 = arith.constant 0 : index
        %swap3A_96 = tpu.vector_load %arg8[%swap3A, %swap3A_95] {strides = array<i32>} : memref<128x64xf32, #tpu.memory_space<vmem>>, vector<1x16xf32>,
        %swap3A_97 = vector.shape_cast %swap3A_96 : vector<1x16xf32> to vector<16xf32>
        %swap3A_98 = vector.shape_cast %get3A_94 : vector<16xf32> to vector<1x16xf32>
        tpu.vector_store %arg8[%swap3A, %swap3A_95], %swap3A_98 {add = true, strides = array<i32>} : memref<128x64xf32, #tpu.memory_space<vmem>>, vector<1x16xf32>,
        %get3A_99 = arith.index_cast %add3A_91 : i32 to index
        %get3A_100 = arith.constant 16 : index
        %get3A_101 = tpu.vector_load %arg7[%get3A_99, %get3A_100] {strides = array<i32>} : memref<328x64xf32, #tpu.memory_space<vmem>>, vector<1x16xf32>,
        %get3A_102 = vector.shape_cast %get3A_101 : vector<1x16xf32> to vector<16xf32>
        %swap3A_103 = arith.index_cast %scan3A_90 : i32 to index
        %swap3A_104 = arith.constant 16 : index
        %swap3A_105 = tpu.vector_load %arg8[%swap3A_103, %swap3A_104] {strides = array<i32>} : memref<128x64xf32, #tpu.memory_space<vmem>>, vector<1x16xf32>,
        %swap3A_106 = vector.shape_cast %swap3A_105 : vector<1x16xf32> to vector<16xf32>
        %swap3A_107 = vector.shape_cast %get3A_102 : vector<16xf32> to vector<1x16xf32>
        tpu.vector_store %arg8[%swap3A_103, %swap3A_104], %swap3A_107 {add = true, strides = array<i32>} : memref<128x64xf32, #tpu.memory_space<vmem>>, vector<1x16xf32>,
        %get3A_108 = arith.index_cast %add3A_91 : i32 to index
        %get3A_109 = arith.constant 32 : index
        %get3A_110 = tpu.vector_load %arg7[%get3A_108, %get3A_109] {strides = array<i32>} : memref<328x64xf32, #tpu.memory_space<vmem>>, vector<1x16xf32>,
        %get3A_111 = vector.shape_cast %get3A_110 : vector<1x16xf32> to vector<16xf32>
        %swap3A_112 = arith.index_cast %scan3A_90 : i32 to index
        %swap3A_113 = arith.constant 32 : index
        %swap3A_114 = tpu.vector_load %arg8[%swap3A_112, %swap3A_113] {strides = array<i32>} : memref<128x64xf32, #tpu.memory_space<vmem>>, vector<1x16xf32>,
        %swap3A_115 = vector.shape_cast %swap3A_114 : vector<1x16xf32> to vector<16xf32>
        %swap3A_116 = vector.shape_cast %get3A_111 : vector<16xf32> to vector<1x16xf32>
        tpu.vector_store %arg8[%swap3A_112, %swap3A_113], %swap3A_116 {add = true, strides = array<i32>} : memref<128x64xf32, #tpu.memory_space<vmem>>, vector<1x16xf32>,
        %get3A_117 = arith.index_cast %add3A_91 : i32 to index
        %get3A_118 = arith.constant 48 : index
        %get3A_119 = tpu.vector_load %arg7[%get3A_117, %get3A_118] {strides = array<i32>} : memref<328x64xf32, #tpu.memory_space<vmem>>, vector<1x16xf32>,
        %get3A_120 = vector.shape_cast %get3A_119 : vector<1x16xf32> to vector<16xf32>
        %swap3A_121 = arith.index_cast %scan3A_90 : i32 to index
        %swap3A_122 = arith.constant 48 : index
        %swap3A_123 = tpu.vector_load %arg8[%swap3A_121, %swap3A_122] {strides = array<i32>} : memref<128x64xf32, #tpu.memory_space<vmem>>, vector<1x16xf32>,
        %swap3A_124 = vector.shape_cast %swap3A_123 : vector<1x16xf32> to vector<16xf32>
        %swap3A_125 = vector.shape_cast %get3A_120 : vector<16xf32> to vector<1x16xf32>
        tpu.vector_store %arg8[%swap3A_121, %swap3A_122], %swap3A_125 {add = true, strides = array<i32>} : memref<128x64xf32, #tpu.memory_space<vmem>>, vector<1x16xf32>,
        %scan3A_126 = arith.constant 1 : i32
        %scan3A_127 = arith.addi %scan3A_90, %scan3A_126 : i32
        %add3A_128 = arith.addi %rem3A_42, %scan3A_127 : i32
        %get3A_129 = arith.index_cast %add3A_128 : i32 to index
        %get3A_130 = arith.constant 0 : index
        %get3A_131 = tpu.vector_load %arg7[%get3A_129, %get3A_130] {strides = array<i32>} : memref<328x64xf32, #tpu.memory_space<vmem>>, vector<1x16xf32>,
        %get3A_132 = vector.shape_cast %get3A_131 : vector<1x16xf32> to vector<16xf32>
        %swap3A_133 = arith.index_cast %scan3A_127 : i32 to index
        %swap3A_134 = arith.constant 0 : index
        %swap3A_135 = tpu.vector_load %arg8[%swap3A_133, %swap3A_134] {strides = array<i32>} : memref<128x64xf32, #tpu.memory_space<vmem>>, vector<1x16xf32>,
        %swap3A_136 = vector.shape_cast %swap3A_135 : vector<1x16xf32> to vector<16xf32>
        %swap3A_137 = vector.shape_cast %get3A_132 : vector<16xf32> to vector<1x16xf32>
        tpu.vector_store %arg8[%swap3A_133, %swap3A_134], %swap3A_137 {add = true, strides = array<i32>} : memref<128x64xf32, #tpu.memory_space<vmem>>, vector<1x16xf32>,
        %get3A_138 = arith.index_cast %add3A_128 : i32 to index
        %get3A_139 = arith.constant 16 : index
        %get3A_140 = tpu.vector_load %arg7[%get3A_138, %get3A_139] {strides = array<i32>} : memref<328x64xf32, #tpu.memory_space<vmem>>, vector<1x16xf32>,
        %get3A_141 = vector.shape_cast %get3A_140 : vector<1x16xf32> to vector<16xf32>
        %swap3A_142 = arith.index_cast %scan3A_127 : i32 to index
        %swap3A_143 = arith.constant 16 : index
        %swap3A_144 = tpu.vector_load %arg8[%swap3A_142, %swap3A_143] {strides = array<i32>} : memref<128x64xf32, #tpu.memory_space<vmem>>, vector<1x16xf32>,
        %swap3A_145 = vector.shape_cast %swap3A_144 : vector<1x16xf32> to vector<16xf32>
        %swap3A_146 = vector.shape_cast %get3A_141 : vector<16xf32> to vector<1x16xf32>
        tpu.vector_store %arg8[%swap3A_142, %swap3A_143], %swap3A_146 {add = true, strides = array<i32>} : memref<128x64xf32, #tpu.memory_space<vmem>>, vector<1x16xf32>,
        %get3A_147 = arith.index_cast %add3A_128 : i32 to index
        %get3A_148 = arith.constant 32 : index
        %get3A_149 = tpu.vector_load %arg7[%get3A_147, %get3A_148] {strides = array<i32>} : memref<328x64xf32, #tpu.memory_space<vmem>>, vector<1x16xf32>,
        %get3A_150 = vector.shape_cast %get3A_149 : vector<1x16xf32> to vector<16xf32>
        %swap3A_151 = arith.index_cast %scan3A_127 : i32 to index
        %swap3A_152 = arith.constant 32 : index
        %swap3A_153 = tpu.vector_load %arg8[%swap3A_151, %swap3A_152] {strides = array<i32>} : memref<128x64xf32, #tpu.memory_space<vmem>>, vector<1x16xf32>,
        %swap3A_154 = vector.shape_cast %swap3A_153 : vector<1x16xf32> to vector<16xf32>
        %swap3A_155 = vector.shape_cast %get3A_150 : vector<16xf32> to vector<1x16xf32>
        tpu.vector_store %arg8[%swap3A_151, %swap3A_152], %swap3A_155 {add = true, strides = array<i32>} : memref<128x64xf32, #tpu.memory_space<vmem>>, vector<1x16xf32>,
        %get3A_156 = arith.index_cast %add3A_128 : i32 to index
        %get3A_157 = arith.constant 48 : index
        %get3A_158 = tpu.vector_load %arg7[%get3A_156, %get3A_157] {strides = array<i32>} : memref<328x64xf32, #tpu.memory_space<vmem>>, vector<1x16xf32>,
        %get3A_159 = vector.shape_cast %get3A_158 : vector<1x16xf32> to vector<16xf32>
        %swap3A_160 = arith.index_cast %scan3A_127 : i32 to index
        %swap3A_161 = arith.constant 48 : index
        %swap3A_162 = tpu.vector_load %arg8[%swap3A_160, %swap3A_161] {strides = array<i32>} : memref<128x64xf32, #tpu.memory_space<vmem>>, vector<1x16xf32>,
        %swap3A_163 = vector.shape_cast %swap3A_162 : vector<1x16xf32> to vector<16xf32>
        %swap3A_164 = vector.shape_cast %get3A_159 : vector<16xf32> to vector<1x16xf32>
        tpu.vector_store %arg8[%swap3A_160, %swap3A_161], %swap3A_164 {add = true, strides = array<i32>} : memref<128x64xf32, #tpu.memory_space<vmem>>, vector<1x16xf32>,
        %scan3A_165 = arith.constant 2 : i32
        %scan3A_166 = arith.addi %scan3A_90, %scan3A_165 : i32
        %add3A_167 = arith.addi %rem3A_42, %scan3A_166 : i32
        %get3A_168 = arith.index_cast %add3A_167 : i32 to index
        %get3A_169 = arith.constant 0 : index
        %get3A_170 = tpu.vector_load %arg7[%get3A_168, %get3A_169] {strides = array<i32>} : memref<328x64xf32, #tpu.memory_space<vmem>>, vector<1x16xf32>,
        %get3A_171 = vector.shape_cast %get3A_170 : vector<1x16xf32> to vector<16xf32>
        %swap3A_172 = arith.index_cast %scan3A_166 : i32 to index
        %swap3A_173 = arith.constant 0 : index
        %swap3A_174 = tpu.vector_load %arg8[%swap3A_172, %swap3A_173] {strides = array<i32>} : memref<128x64xf32, #tpu.memory_space<vmem>>, vector<1x16xf32>,
        %swap3A_175 = vector.shape_cast %swap3A_174 : vector<1x16xf32> to vector<16xf32>
        %swap3A_176 = vector.shape_cast %get3A_171 : vector<16xf32> to vector<1x16xf32>
        tpu.vector_store %arg8[%swap3A_172, %swap3A_173], %swap3A_176 {add = true, strides = array<i32>} : memref<128x64xf32, #tpu.memory_space<vmem>>, vector<1x16xf32>,
        %get3A_177 = arith.index_cast %add3A_167 : i32 to index
        %get3A_178 = arith.constant 16 : index
        %get3A_179 = tpu.vector_load %arg7[%get3A_177, %get3A_178] {strides = array<i32>} : memref<328x64xf32, #tpu.memory_space<vmem>>, vector<1x16xf32>,
        %get3A_180 = vector.shape_cast %get3A_179 : vector<1x16xf32> to vector<16xf32>
        %swap3A_181 = arith.index_cast %scan3A_166 : i32 to index
        %swap3A_182 = arith.constant 16 : index
        %swap3A_183 = tpu.vector_load %arg8[%swap3A_181, %swap3A_182] {strides = array<i32>} : memref<128x64xf32, #tpu.memory_space<vmem>>, vector<1x16xf32>,
        %swap3A_184 = vector.shape_cast %swap3A_183 : vector<1x16xf32> to vector<16xf32>
        %swap3A_185 = vector.shape_cast %get3A_180 : vector<16xf32> to vector<1x16xf32>
        tpu.vector_store %arg8[%swap3A_181, %swap3A_182], %swap3A_185 {add = true, strides = array<i32>} : memref<128x64xf32, #tpu.memory_space<vmem>>, vector<1x16xf32>,
        %get3A_186 = arith.index_cast %add3A_167 : i32 to index
        %get3A_187 = arith.constant 32 : index
        %get3A_188 = tpu.vector_load %arg7[%get3A_186, %get3A_187] {strides = array<i32>} : memref<328x64xf32, #tpu.memory_space<vmem>>, vector<1x16xf32>,
        %get3A_189 = vector.shape_cast %get3A_188 : vector<1x16xf32> to vector<16xf32>
        %swap3A_190 = arith.index_cast %scan3A_166 : i32 to index
        %swap3A_191 = arith.constant 32 : index
        %swap3A_192 = tpu.vector_load %arg8[%swap3A_190, %swap3A_191] {strides = array<i32>} : memref<128x64xf32, #tpu.memory_space<vmem>>, vector<1x16xf32>,
        %swap3A_193 = vector.shape_cast %swap3A_192 : vector<1x16xf32> to vector<16xf32>
        %swap3A_194 = vector.shape_cast %get3A_189 : vector<16xf32> to vector<1x16xf32>
        tpu.vector_store %arg8[%swap3A_190, %swap3A_191], %swap3A_194 {add = true, strides = array<i32>} : memref<128x64xf32, #tpu.memory_space<vmem>>, vector<1x16xf32>,
        %get3A_195 = arith.index_cast %add3A_167 : i32 to index
        %get3A_196 = arith.constant 48 : index
        %get3A_197 = tpu.vector_load %arg7[%get3A_195, %get3A_196] {strides = array<i32>} : memref<328x64xf32, #tpu.memory_space<vmem>>, vector<1x16xf32>,
        %get3A_198 = vector.shape_cast %get3A_197 : vector<1x16xf32> to vector<16xf32>
        %swap3A_199 = arith.index_cast %scan3A_166 : i32 to index
        %swap3A_200 = arith.constant 48 : index
        %swap3A_201 = tpu.vector_load %arg8[%swap3A_199, %swap3A_200] {strides = array<i32>} : memref<128x64xf32, #tpu.memory_space<vmem>>, vector<1x16xf32>,
        %swap3A_202 = vector.shape_cast %swap3A_201 : vector<1x16xf32> to vector<16xf32>
        %swap3A_203 = vector.shape_cast %get3A_198 : vector<16xf32> to vector<1x16xf32>
        tpu.vector_store %arg8[%swap3A_199, %swap3A_200], %swap3A_203 {add = true, strides = array<i32>} : memref<128x64xf32, #tpu.memory_space<vmem>>, vector<1x16xf32>,
        %scan3A_204 = arith.constant 3 : i32
        %scan3A_205 = arith.addi %scan3A_90, %scan3A_204 : i32
        %add3A_206 = arith.addi %rem3A_42, %scan3A_205 : i32
        %get3A_207 = arith.index_cast %add3A_206 : i32 to index
        %get3A_208 = arith.constant 0 : index
        %get3A_209 = tpu.vector_load %arg7[%get3A_207, %get3A_208] {strides = array<i32>} : memref<328x64xf32, #tpu.memory_space<vmem>>, vector<1x16xf32>,
        %get3A_210 = vector.shape_cast %get3A_209 : vector<1x16xf32> to vector<16xf32>
        %swap3A_211 = arith.index_cast %scan3A_205 : i32 to index
        %swap3A_212 = arith.constant 0 : index
        %swap3A_213 = tpu.vector_load %arg8[%swap3A_211, %swap3A_212] {strides = array<i32>} : memref<128x64xf32, #tpu.memory_space<vmem>>, vector<1x16xf32>,
        %swap3A_214 = vector.shape_cast %swap3A_213 : vector<1x16xf32> to vector<16xf32>
        %swap3A_215 = vector.shape_cast %get3A_210 : vector<16xf32> to vector<1x16xf32>
        tpu.vector_store %arg8[%swap3A_211, %swap3A_212], %swap3A_215 {add = true, strides = array<i32>} : memref<128x64xf32, #tpu.memory_space<vmem>>, vector<1x16xf32>,
        %get3A_216 = arith.index_cast %add3A_206 : i32 to index
        %get3A_217 = arith.constant 16 : index
        %get3A_218 = tpu.vector_load %arg7[%get3A_216, %get3A_217] {strides = array<i32>} : memref<328x64xf32, #tpu.memory_space<vmem>>, vector<1x16xf32>,
        %get3A_219 = vector.shape_cast %get3A_218 : vector<1x16xf32> to vector<16xf32>
        %swap3A_220 = arith.index_cast %scan3A_205 : i32 to index
        %swap3A_221 = arith.constant 16 : index
        %swap3A_222 = tpu.vector_load %arg8[%swap3A_220, %swap3A_221] {strides = array<i32>} : memref<128x64xf32, #tpu.memory_space<vmem>>, vector<1x16xf32>,
        %swap3A_223 = vector.shape_cast %swap3A_222 : vector<1x16xf32> to vector<16xf32>
        %swap3A_224 = vector.shape_cast %get3A_219 : vector<16xf32> to vector<1x16xf32>
        tpu.vector_store %arg8[%swap3A_220, %swap3A_221], %swap3A_224 {add = true, strides = array<i32>} : memref<128x64xf32, #tpu.memory_space<vmem>>, vector<1x16xf32>,
        %get3A_225 = arith.index_cast %add3A_206 : i32 to index
        %get3A_226 = arith.constant 32 : index
        %get3A_227 = tpu.vector_load %arg7[%get3A_225, %get3A_226] {strides = array<i32>} : memref<328x64xf32, #tpu.memory_space<vmem>>, vector<1x16xf32>,
        %get3A_228 = vector.shape_cast %get3A_227 : vector<1x16xf32> to vector<16xf32>
        %swap3A_229 = arith.index_cast %scan3A_205 : i32 to index
        %swap3A_230 = arith.constant 32 : index
        %swap3A_231 = tpu.vector_load %arg8[%swap3A_229, %swap3A_230] {strides = array<i32>} : memref<128x64xf32, #tpu.memory_space<vmem>>, vector<1x16xf32>,
        %swap3A_232 = vector.shape_cast %swap3A_231 : vector<1x16xf32> to vector<16xf32>
        %swap3A_233 = vector.shape_cast %get3A_228 : vector<16xf32> to vector<1x16xf32>
        tpu.vector_store %arg8[%swap3A_229, %swap3A_230], %swap3A_233 {add = true, strides = array<i32>} : memref<128x64xf32, #tpu.memory_space<vmem>>, vector<1x16xf32>,
        %get3A_234 = arith.index_cast %add3A_206 : i32 to index
        %get3A_235 = arith.constant 48 : index
        %get3A_236 = tpu.vector_load %arg7[%get3A_234, %get3A_235] {strides = array<i32>} : memref<328x64xf32, #tpu.memory_space<vmem>>, vector<1x16xf32>,
        %get3A_237 = vector.shape_cast %get3A_236 : vector<1x16xf32> to vector<16xf32>
        %swap3A_238 = arith.index_cast %scan3A_205 : i32 to index
        %swap3A_239 = arith.constant 48 : index
        %swap3A_240 = tpu.vector_load %arg8[%swap3A_238, %swap3A_239] {strides = array<i32>} : memref<128x64xf32, #tpu.memory_space<vmem>>, vector<1x16xf32>,
        %swap3A_241 = vector.shape_cast %swap3A_240 : vector<1x16xf32> to vector<16xf32>
        %swap3A_242 = vector.shape_cast %get3A_237 : vector<16xf32> to vector<1x16xf32>
        tpu.vector_store %arg8[%swap3A_238, %swap3A_239], %swap3A_242 {add = true, strides = array<i32>} : memref<128x64xf32, #tpu.memory_space<vmem>>, vector<1x16xf32>,
        %scan3A_243 = arith.constant 4 : i32
        %scan3A_244 = arith.addi %scan3A_90, %scan3A_243 : i32
        %add3A_245 = arith.addi %rem3A_42, %scan3A_244 : i32
        %get3A_246 = arith.index_cast %add3A_245 : i32 to index
        %get3A_247 = arith.constant 0 : index
        %get3A_248 = tpu.vector_load %arg7[%get3A_246, %get3A_247] {strides = array<i32>} : memref<328x64xf32, #tpu.memory_space<vmem>>, vector<1x16xf32>,
        %get3A_249 = vector.shape_cast %get3A_248 : vector<1x16xf32> to vector<16xf32>
        %swap3A_250 = arith.index_cast %scan3A_244 : i32 to index
        %swap3A_251 = arith.constant 0 : index
        %swap3A_252 = tpu.vector_load %arg8[%swap3A_250, %swap3A_251] {strides = array<i32>} : memref<128x64xf32, #tpu.memory_space<vmem>>, vector<1x16xf32>,
        %swap3A_253 = vector.shape_cast %swap3A_252 : vector<1x16xf32> to vector<16xf32>
        %swap3A_254 = vector.shape_cast %get3A_249 : vector<16xf32> to vector<1x16xf32>
        tpu.vector_store %arg8[%swap3A_250, %swap3A_251], %swap3A_254 {add = true, strides = array<i32>} : memref<128x64xf32, #tpu.memory_space<vmem>>, vector<1x16xf32>,
        %get3A_255 = arith.index_cast %add3A_245 : i32 to index
        %get3A_256 = arith.constant 16 : index
        %get3A_257 = tpu.vector_load %arg7[%get3A_255, %get3A_256] {strides = array<i32>} : memref<328x64xf32, #tpu.memory_space<vmem>>, vector<1x16xf32>,
        %get3A_258 = vector.shape_cast %get3A_257 : vector<1x16xf32> to vector<16xf32>
        %swap3A_259 = arith.index_cast %scan3A_244 : i32 to index
        %swap3A_260 = arith.constant 16 : index
        %swap3A_261 = tpu.vector_load %arg8[%swap3A_259, %swap3A_260] {strides = array<i32>} : memref<128x64xf32, #tpu.memory_space<vmem>>, vector<1x16xf32>,
        %swap3A_262 = vector.shape_cast %swap3A_261 : vector<1x16xf32> to vector<16xf32>
        %swap3A_263 = vector.shape_cast %get3A_258 : vector<16xf32> to vector<1x16xf32>
        tpu.vector_store %arg8[%swap3A_259, %swap3A_260], %swap3A_263 {add = true, strides = array<i32>} : memref<128x64xf32, #tpu.memory_space<vmem>>, vector<1x16xf32>,
        %get3A_264 = arith.index_cast %add3A_245 : i32 to index
        %get3A_265 = arith.constant 32 : index
        %get3A_266 = tpu.vector_load %arg7[%get3A_264, %get3A_265] {strides = array<i32>} : memref<328x64xf32, #tpu.memory_space<vmem>>, vector<1x16xf32>,
        %get3A_267 = vector.shape_cast %get3A_266 : vector<1x16xf32> to vector<16xf32>
        %swap3A_268 = arith.index_cast %scan3A_244 : i32 to index
        %swap3A_269 = arith.constant 32 : index
        %swap3A_270 = tpu.vector_load %arg8[%swap3A_268, %swap3A_269] {strides = array<i32>} : memref<128x64xf32, #tpu.memory_space<vmem>>, vector<1x16xf32>,
        %swap3A_271 = vector.shape_cast %swap3A_270 : vector<1x16xf32> to vector<16xf32>
        %swap3A_272 = vector.shape_cast %get3A_267 : vector<16xf32> to vector<1x16xf32>
        tpu.vector_store %arg8[%swap3A_268, %swap3A_269], %swap3A_272 {add = true, strides = array<i32>} : memref<128x64xf32, #tpu.memory_space<vmem>>, vector<1x16xf32>,
        %get3A_273 = arith.index_cast %add3A_245 : i32 to index
        %get3A_274 = arith.constant 48 : index
        %get3A_275 = tpu.vector_load %arg7[%get3A_273, %get3A_274] {strides = array<i32>} : memref<328x64xf32, #tpu.memory_space<vmem>>, vector<1x16xf32>,
        %get3A_276 = vector.shape_cast %get3A_275 : vector<1x16xf32> to vector<16xf32>
        %swap3A_277 = arith.index_cast %scan3A_244 : i32 to index
        %swap3A_278 = arith.constant 48 : index
        %swap3A_279 = tpu.vector_load %arg8[%swap3A_277, %swap3A_278] {strides = array<i32>} : memref<128x64xf32, #tpu.memory_space<vmem>>, vector<1x16xf32>,
        %swap3A_280 = vector.shape_cast %swap3A_279 : vector<1x16xf32> to vector<16xf32>
        %swap3A_281 = vector.shape_cast %get3A_276 : vector<16xf32> to vector<1x16xf32>
        tpu.vector_store %arg8[%swap3A_277, %swap3A_278], %swap3A_281 {add = true, strides = array<i32>} : memref<128x64xf32, #tpu.memory_space<vmem>>, vector<1x16xf32>,
        %scan3A_282 = arith.constant 5 : i32
        %scan3A_283 = arith.addi %scan3A_90, %scan3A_282 : i32
        %add3A_284 = arith.addi %rem3A_42, %scan3A_283 : i32
        %get3A_285 = arith.index_cast %add3A_284 : i32 to index
        %get3A_286 = arith.constant 0 : index
        %get3A_287 = tpu.vector_load %arg7[%get3A_285, %get3A_286] {strides = array<i32>} : memref<328x64xf32, #tpu.memory_space<vmem>>, vector<1x16xf32>,
        %get3A_288 = vector.shape_cast %get3A_287 : vector<1x16xf32> to vector<16xf32>
        %swap3A_289 = arith.index_cast %scan3A_283 : i32 to index
        %swap3A_290 = arith.constant 0 : index
        %swap3A_291 = tpu.vector_load %arg8[%swap3A_289, %swap3A_290] {strides = array<i32>} : memref<128x64xf32, #tpu.memory_space<vmem>>, vector<1x16xf32>,
        %swap3A_292 = vector.shape_cast %swap3A_291 : vector<1x16xf32> to vector<16xf32>
        %swap3A_293 = vector.shape_cast %get3A_288 : vector<16xf32> to vector<1x16xf32>
        tpu.vector_store %arg8[%swap3A_289, %swap3A_290], %swap3A_293 {add = true, strides = array<i32>} : memref<128x64xf32, #tpu.memory_space<vmem>>, vector<1x16xf32>,
        %get3A_294 = arith.index_cast %add3A_284 : i32 to index
        %get3A_295 = arith.constant 16 : index
        %get3A_296 = tpu.vector_load %arg7[%get3A_294, %get3A_295] {strides = array<i32>} : memref<328x64xf32, #tpu.memory_space<vmem>>, vector<1x16xf32>,
        %get3A_297 = vector.shape_cast %get3A_296 : vector<1x16xf32> to vector<16xf32>
        %swap3A_298 = arith.index_cast %scan3A_283 : i32 to index
        %swap3A_299 = arith.constant 16 : index
        %swap3A_300 = tpu.vector_load %arg8[%swap3A_298, %swap3A_299] {strides = array<i32>} : memref<128x64xf32, #tpu.memory_space<vmem>>, vector<1x16xf32>,
        %swap3A_301 = vector.shape_cast %swap3A_300 : vector<1x16xf32> to vector<16xf32>
        %swap3A_302 = vector.shape_cast %get3A_297 : vector<16xf32> to vector<1x16xf32>
        tpu.vector_store %arg8[%swap3A_298, %swap3A_299], %swap3A_302 {add = true, strides = array<i32>} : memref<128x64xf32, #tpu.memory_space<vmem>>, vector<1x16xf32>,
        %get3A_303 = arith.index_cast %add3A_284 : i32 to index
        %get3A_304 = arith.constant 32 : index
        %get3A_305 = tpu.vector_load %arg7[%get3A_303, %get3A_304] {strides = array<i32>} : memref<328x64xf32, #tpu.memory_space<vmem>>, vector<1x16xf32>,
        %get3A_306 = vector.shape_cast %get3A_305 : vector<1x16xf32> to vector<16xf32>
        %swap3A_307 = arith.index_cast %scan3A_283 : i32 to index
        %swap3A_308 = arith.constant 32 : index
        %swap3A_309 = tpu.vector_load %arg8[%swap3A_307, %swap3A_308] {strides = array<i32>} : memref<128x64xf32, #tpu.memory_space<vmem>>, vector<1x16xf32>,
        %swap3A_310 = vector.shape_cast %swap3A_309 : vector<1x16xf32> to vector<16xf32>
        %swap3A_311 = vector.shape_cast %get3A_306 : vector<16xf32> to vector<1x16xf32>
        tpu.vector_store %arg8[%swap3A_307, %swap3A_308], %swap3A_311 {add = true, strides = array<i32>} : memref<128x64xf32, #tpu.memory_space<vmem>>, vector<1x16xf32>,
        %get3A_312 = arith.index_cast %add3A_284 : i32 to index
        %get3A_313 = arith.constant 48 : index
        %get3A_314 = tpu.vector_load %arg7[%get3A_312, %get3A_313] {strides = array<i32>} : memref<328x64xf32, #tpu.memory_space<vmem>>, vector<1x16xf32>,
        %get3A_315 = vector.shape_cast %get3A_314 : vector<1x16xf32> to vector<16xf32>
        %swap3A_316 = arith.index_cast %scan3A_283 : i32 to index
        %swap3A_317 = arith.constant 48 : index
        %swap3A_318 = tpu.vector_load %arg8[%swap3A_316, %swap3A_317] {strides = array<i32>} : memref<128x64xf32, #tpu.memory_space<vmem>>, vector<1x16xf32>,
        %swap3A_319 = vector.shape_cast %swap3A_318 : vector<1x16xf32> to vector<16xf32>
        %swap3A_320 = vector.shape_cast %get3A_315 : vector<16xf32> to vector<1x16xf32>
        tpu.vector_store %arg8[%swap3A_316, %swap3A_317], %swap3A_320 {add = true, strides = array<i32>} : memref<128x64xf32, #tpu.memory_space<vmem>>, vector<1x16xf32>,
        %scan3A_321 = arith.constant 6 : i32
        %scan3A_322 = arith.addi %scan3A_90, %scan3A_321 : i32
        %add3A_323 = arith.addi %rem3A_42, %scan3A_322 : i32
        %get3A_324 = arith.index_cast %add3A_323 : i32 to index
        %get3A_325 = arith.constant 0 : index
        %get3A_326 = tpu.vector_load %arg7[%get3A_324, %get3A_325] {strides = array<i32>} : memref<328x64xf32, #tpu.memory_space<vmem>>, vector<1x16xf32>,
        %get3A_327 = vector.shape_cast %get3A_326 : vector<1x16xf32> to vector<16xf32>
        %swap3A_328 = arith.index_cast %scan3A_322 : i32 to index
        %swap3A_329 = arith.constant 0 : index
        %swap3A_330 = tpu.vector_load %arg8[%swap3A_328, %swap3A_329] {strides = array<i32>} : memref<128x64xf32, #tpu.memory_space<vmem>>, vector<1x16xf32>,
        %swap3A_331 = vector.shape_cast %swap3A_330 : vector<1x16xf32> to vector<16xf32>
        %swap3A_332 = vector.shape_cast %get3A_327 : vector<16xf32> to vector<1x16xf32>
        tpu.vector_store %arg8[%swap3A_328, %swap3A_329], %swap3A_332 {add = true, strides = array<i32>} : memref<128x64xf32, #tpu.memory_space<vmem>>, vector<1x16xf32>,
        %get3A_333 = arith.index_cast %add3A_323 : i32 to index
        %get3A_334 = arith.constant 16 : index
        %get3A_335 = tpu.vector_load %arg7[%get3A_333, %get3A_334] {strides = array<i32>} : memref<328x64xf32, #tpu.memory_space<vmem>>, vector<1x16xf32>,
        %get3A_336 = vector.shape_cast %get3A_335 : vector<1x16xf32> to vector<16xf32>
        %swap3A_337 = arith.index_cast %scan3A_322 : i32 to index
        %swap3A_338 = arith.constant 16 : index
        %swap3A_339 = tpu.vector_load %arg8[%swap3A_337, %swap3A_338] {strides = array<i32>} : memref<128x64xf32, #tpu.memory_space<vmem>>, vector<1x16xf32>,
        %swap3A_340 = vector.shape_cast %swap3A_339 : vector<1x16xf32> to vector<16xf32>
        %swap3A_341 = vector.shape_cast %get3A_336 : vector<16xf32> to vector<1x16xf32>
        tpu.vector_store %arg8[%swap3A_337, %swap3A_338], %swap3A_341 {add = true, strides = array<i32>} : memref<128x64xf32, #tpu.memory_space<vmem>>, vector<1x16xf32>,
        %get3A_342 = arith.index_cast %add3A_323 : i32 to index
        %get3A_343 = arith.constant 32 : index
        %get3A_344 = tpu.vector_load %arg7[%get3A_342, %get3A_343] {strides = array<i32>} : memref<328x64xf32, #tpu.memory_space<vmem>>, vector<1x16xf32>,
        %get3A_345 = vector.shape_cast %get3A_344 : vector<1x16xf32> to vector<16xf32>
        %swap3A_346 = arith.index_cast %scan3A_322 : i32 to index
        %swap3A_347 = arith.constant 32 : index
        %swap3A_348 = tpu.vector_load %arg8[%swap3A_346, %swap3A_347] {strides = array<i32>} : memref<128x64xf32, #tpu.memory_space<vmem>>, vector<1x16xf32>,
        %swap3A_349 = vector.shape_cast %swap3A_348 : vector<1x16xf32> to vector<16xf32>
        %swap3A_350 = vector.shape_cast %get3A_345 : vector<16xf32> to vector<1x16xf32>
        tpu.vector_store %arg8[%swap3A_346, %swap3A_347], %swap3A_350 {add = true, strides = array<i32>} : memref<128x64xf32, #tpu.memory_space<vmem>>, vector<1x16xf32>,
        %get3A_351 = arith.index_cast %add3A_323 : i32 to index
        %get3A_352 = arith.constant 48 : index
        %get3A_353 = tpu.vector_load %arg7[%get3A_351, %get3A_352] {strides = array<i32>} : memref<328x64xf32, #tpu.memory_space<vmem>>, vector<1x16xf32>,
        %get3A_354 = vector.shape_cast %get3A_353 : vector<1x16xf32> to vector<16xf32>
        %swap3A_355 = arith.index_cast %scan3A_322 : i32 to index
        %swap3A_356 = arith.constant 48 : index
        %swap3A_357 = tpu.vector_load %arg8[%swap3A_355, %swap3A_356] {strides = array<i32>} : memref<128x64xf32, #tpu.memory_space<vmem>>, vector<1x16xf32>,
        %swap3A_358 = vector.shape_cast %swap3A_357 : vector<1x16xf32> to vector<16xf32>
        %swap3A_359 = vector.shape_cast %get3A_354 : vector<16xf32> to vector<1x16xf32>
        tpu.vector_store %arg8[%swap3A_355, %swap3A_356], %swap3A_359 {add = true, strides = array<i32>} : memref<128x64xf32, #tpu.memory_space<vmem>>, vector<1x16xf32>,
        %scan3A_360 = arith.constant 7 : i32
        %scan3A_361 = arith.addi %scan3A_90, %scan3A_360 : i32
        %add3A_362 = arith.addi %rem3A_42, %scan3A_361 : i32
        %get3A_363 = arith.index_cast %add3A_362 : i32 to index
        %get3A_364 = arith.constant 0 : index
        %get3A_365 = tpu.vector_load %arg7[%get3A_363, %get3A_364] {strides = array<i32>} : memref<328x64xf32, #tpu.memory_space<vmem>>, vector<1x16xf32>,
        %get3A_366 = vector.shape_cast %get3A_365 : vector<1x16xf32> to vector<16xf32>
        %swap3A_367 = arith.index_cast %scan3A_361 : i32 to index
        %swap3A_368 = arith.constant 0 : index
        %swap3A_369 = tpu.vector_load %arg8[%swap3A_367, %swap3A_368] {strides = array<i32>} : memref<128x64xf32, #tpu.memory_space<vmem>>, vector<1x16xf32>,
        %swap3A_370 = vector.shape_cast %swap3A_369 : vector<1x16xf32> to vector<16xf32>
        %swap3A_371 = vector.shape_cast %get3A_366 : vector<16xf32> to vector<1x16xf32>
        tpu.vector_store %arg8[%swap3A_367, %swap3A_368], %swap3A_371 {add = true, strides = array<i32>} : memref<128x64xf32, #tpu.memory_space<vmem>>, vector<1x16xf32>,
        %get3A_372 = arith.index_cast %add3A_362 : i32 to index
        %get3A_373 = arith.constant 16 : index
        %get3A_374 = tpu.vector_load %arg7[%get3A_372, %get3A_373] {strides = array<i32>} : memref<328x64xf32, #tpu.memory_space<vmem>>, vector<1x16xf32>,
        %get3A_375 = vector.shape_cast %get3A_374 : vector<1x16xf32> to vector<16xf32>
        %swap3A_376 = arith.index_cast %scan3A_361 : i32 to index
        %swap3A_377 = arith.constant 16 : index
        %swap3A_378 = tpu.vector_load %arg8[%swap3A_376, %swap3A_377] {strides = array<i32>} : memref<128x64xf32, #tpu.memory_space<vmem>>, vector<1x16xf32>,
        %swap3A_379 = vector.shape_cast %swap3A_378 : vector<1x16xf32> to vector<16xf32>
        %swap3A_380 = vector.shape_cast %get3A_375 : vector<16xf32> to vector<1x16xf32>
        tpu.vector_store %arg8[%swap3A_376, %swap3A_377], %swap3A_380 {add = true, strides = array<i32>} : memref<128x64xf32, #tpu.memory_space<vmem>>, vector<1x16xf32>,
        %get3A_381 = arith.index_cast %add3A_362 : i32 to index
        %get3A_382 = arith.constant 32 : index
        %get3A_383 = tpu.vector_load %arg7[%get3A_381, %get3A_382] {strides = array<i32>} : memref<328x64xf32, #tpu.memory_space<vmem>>, vector<1x16xf32>,
        %get3A_384 = vector.shape_cast %get3A_383 : vector<1x16xf32> to vector<16xf32>
        %swap3A_385 = arith.index_cast %scan3A_361 : i32 to index
        %swap3A_386 = arith.constant 32 : index
        %swap3A_387 = tpu.vector_load %arg8[%swap3A_385, %swap3A_386] {strides = array<i32>} : memref<128x64xf32, #tpu.memory_space<vmem>>, vector<1x16xf32>,
        %swap3A_388 = vector.shape_cast %swap3A_387 : vector<1x16xf32> to vector<16xf32>
        %swap3A_389 = vector.shape_cast %get3A_384 : vector<16xf32> to vector<1x16xf32>
        tpu.vector_store %arg8[%swap3A_385, %swap3A_386], %swap3A_389 {add = true, strides = array<i32>} : memref<128x64xf32, #tpu.memory_space<vmem>>, vector<1x16xf32>,
        %get3A_390 = arith.index_cast %add3A_362 : i32 to index
        %get3A_391 = arith.constant 48 : index
        %get3A_392 = tpu.vector_load %arg7[%get3A_390, %get3A_391] {strides = array<i32>} : memref<328x64xf32, #tpu.memory_space<vmem>>, vector<1x16xf32>,
        %get3A_393 = vector.shape_cast %get3A_392 : vector<1x16xf32> to vector<16xf32>
        %swap3A_394 = arith.index_cast %scan3A_361 : i32 to index
        %swap3A_395 = arith.constant 48 : index
        %swap3A_396 = tpu.vector_load %arg8[%swap3A_394, %swap3A_395] {strides = array<i32>} : memref<128x64xf32, #tpu.memory_space<vmem>>, vector<1x16xf32>,
        %swap3A_397 = vector.shape_cast %swap3A_396 : vector<1x16xf32> to vector<16xf32>
        %swap3A_398 = vector.shape_cast %get3A_393 : vector<16xf32> to vector<1x16xf32>
        tpu.vector_store %arg8[%swap3A_394, %swap3A_395], %swap3A_398 {add = true, strides = array<i32>} : memref<128x64xf32, #tpu.memory_space<vmem>>, vector<1x16xf32>,
      }
      %scan3A_48 = arith.constant 128 : i32
      %mul3A_49 = arith.constant 128 : i32
      %mul3A_50 = arith.muli %mul3A_29, %mul3A_49 : i32
      %add3A_51 = arith.addi %mul3A_4, %mul3A_50 : i32
      %dma_start3A_52 = arith.constant 0 : i32
      %dma_start3A_53 = tpu.memref_slice %arg5[%add3A_51, %dma_start3A_52] : memref<819200x64xf32, #tpu.memory_space<hbm>> -> memref<128x64xf32, #tpu.memory_space<hbm>>
      %dma_start3A_54 = arith.constant 0 : i32
      %dma_start3A_55 = tpu.memref_slice %arg5[%add3A_51, %dma_start3A_54] : memref<819200x64xf32, #tpu.memory_space<hbm>> -> memref<128x64xf32, #tpu.memory_space<hbm>>
      tpu.enqueue_dma source(%arg8 : memref<128x64xf32, #tpu.memory_space<vmem>>) target(%dma_start3A_55 : memref<128x64xf32, #tpu.memory_space<hbm>>) target_semaphore(%arg12 : memref<!tpu.dma_semaphore, #tpu.memory_space<semaphore_mem>>)
      %mul3A_56 = arith.constant 2 : i32
      %mul3A_57 = arith.muli %mul3A_56, %scan3A_27 : i32
      %add3A_58 = arith.constant 1 : i32
      %add3A_59 = arith.addi %mul3A_57, %add3A_58 : i32
      %add3A_60 = arith.constant 1 : i32
      %add3A_61 = arith.addi %add3A_59, %add3A_60 : i32
      %lt3A_62 = arith.constant 200 : i32
      %lt3A_63 = arith.cmpi slt, %add3A_61, %lt3A_62 : i32
      %convert_element_type3A_64 = arith.extui %lt3A_63 : i1 to i32
      %cond3A_65 = arith.constant 0 : i32
      %cond3A_66 = arith.cmpi ne, %convert_element_type3A_64, %cond3A_65 : i32
      scf.if %cond3A_66 {
        %ge3A = arith.constant 1 : i32
        %ge3A_90 = arith.cmpi sge, %add3A_59, %ge3A : i32
        %convert_element_type3A_91 = arith.extui %ge3A_90 : i1 to i32
        %cond3A_92 = arith.constant 0 : i32
        %cond3A_93 = arith.cmpi ne, %convert_element_type3A_91, %cond3A_92 : i32
        scf.if %cond3A_93 {
          %sub3A = arith.constant 1 : i32
          %sub3A_102 = arith.subi %add3A_59, %sub3A : i32
          %mul3A_103 = arith.constant 128 : i32
          %mul3A_104 = arith.muli %sub3A_102, %mul3A_103 : i32
          %add3A_105 = arith.addi %mul3A_4, %mul3A_104 : i32
          %dma_wait3A_106 = arith.constant 0 : i32
          %dma_wait3A_107 = tpu.memref_slice %arg5[%add3A_105, %dma_wait3A_106] : memref<819200x64xf32, #tpu.memory_space<hbm>> -> memref<128x64xf32, #tpu.memory_space<hbm>>
          %dma_wait3A_108 = arith.constant 0 : i32
          %dma_wait3A_109 = tpu.memref_slice %arg5[%add3A_105, %dma_wait3A_108] : memref<819200x64xf32, #tpu.memory_space<hbm>> -> memref<128x64xf32, #tpu.memory_space<hbm>>
          tpu.wait_dma2 semaphore(%arg12 : memref<!tpu.dma_semaphore, #tpu.memory_space<semaphore_mem>>) src(%arg8 : memref<128x64xf32, #tpu.memory_space<vmem>>) dst(%dma_wait3A_109 : memref<128x64xf32, #tpu.memory_space<hbm>>)
        } else {
        }
        %add3A_94 = arith.constant 1 : i32
        %add3A_95 = arith.addi %add3A_59, %add3A_94 : i32
        %dma_start3A_96 = arith.constant 0 : i32
        %dma_start3A_97 = tpu.memref_slice %arg6[%add3A_95, %dma_start3A_96] : memref<200x128xi32, #tpu.memory_space<vmem>> -> memref<1x128xi32, #tpu.memory_space<vmem>>
        %dma_start3A_98 = tpu.memref_squeeze %dma_start3A_97 : memref<1x128xi32, #tpu.memory_space<vmem>> -> memref<128xi32, #tpu.memory_space<vmem>>
        %dma_start3A_99 = arith.constant 0 : i32
        %dma_start3A_100 = arith.constant 0 : i32
        %dma_start3A_101 = tpu.memref_slice %arg3[%dma_start3A_99, %dma_start3A_100] : memref<1000000x64xf32, #tpu.memory_space<hbm>> -> memref<1000000x64xf32, #tpu.memory_space<hbm>>
        tpu.enqueue_indirect_dma source(%dma_start3A_101 : memref<1000000x64xf32, #tpu.memory_space<hbm>>) target(%arg8 : memref<128x64xf32, #tpu.memory_space<vmem>>) offsets(%dma_start3A_98 : memref<128xi32, #tpu.memory_space<vmem>>) semaphore(%arg10 : memref<!tpu.dma_semaphore, #tpu.memory_space<semaphore_mem>>)
      } else {
      }
      %dma_wait3A_67 = arith.constant 0 : i32
      %dma_wait3A_68 = tpu.memref_slice %arg6[%add3A_59, %dma_wait3A_67] : memref<200x128xi32, #tpu.memory_space<vmem>> -> memref<1x128xi32, #tpu.memory_space<vmem>>
      %dma_wait3A_69 = tpu.memref_squeeze %dma_wait3A_68 : memref<1x128xi32, #tpu.memory_space<vmem>> -> memref<128xi32, #tpu.memory_space<vmem>>
      %dma_wait3A_70 = arith.constant 0 : i32
      %dma_wait3A_71 = arith.constant 0 : i32
      %dma_wait3A_72 = tpu.memref_slice %arg3[%dma_wait3A_70, %dma_wait3A_71] : memref<1000000x64xf32, #tpu.memory_space<hbm>> -> memref<1000000x64xf32, #tpu.memory_space<hbm>>
      tpu.wait_indirect_dma semaphore(%arg11 : memref<!tpu.dma_semaphore, #tpu.memory_space<semaphore_mem>>) src(%dma_wait3A_72 : memref<1000000x64xf32, #tpu.memory_space<hbm>>) dst(%arg9 : memref<128x64xf32, #tpu.memory_space<vmem>>)
      %mul3A_73 = arith.constant 128 : i32
      %mul3A_74 = arith.muli %add3A_59, %mul3A_73 : i32
      %rem3A_75 = arith.constant 200 : i32
      %rem3A_76 = arith.remsi %mul3A_74, %rem3A_75 : i32
      %scan3A_77 = arith.constant 0 : i32
      %scan3A_78 = arith.constant 0 : i32
      %scan3A_79 = arith.constant 128 : i32
      %scan3A_80 = arith.addi %scan3A_78, %scan3A_79 : i32
      %scan3A_81 = arith.constant 8 : i32
      scf.for %scan3A_90 = %scan3A_78 to %scan3A_80 step %scan3A_81  : i32 {
        %add3A_91 = arith.addi %rem3A_76, %scan3A_90 : i32
        %get3A = arith.index_cast %add3A_91 : i32 to index
        %get3A_92 = arith.constant 0 : index
        %get3A_93 = tpu.vector_load %arg7[%get3A, %get3A_92] {strides = array<i32>} : memref<328x64xf32, #tpu.memory_space<vmem>>, vector<1x16xf32>,
        %get3A_94 = vector.shape_cast %get3A_93 : vector<1x16xf32> to vector<16xf32>
        %swap3A = arith.index_cast %scan3A_90 : i32 to index
        %swap3A_95 = arith.constant 0 : index
        %swap3A_96 = tpu.vector_load %arg9[%swap3A, %swap3A_95] {strides = array<i32>} : memref<128x64xf32, #tpu.memory_space<vmem>>, vector<1x16xf32>,
        %swap3A_97 = vector.shape_cast %swap3A_96 : vector<1x16xf32> to vector<16xf32>
        %swap3A_98 = vector.shape_cast %get3A_94 : vector<16xf32> to vector<1x16xf32>
        tpu.vector_store %arg9[%swap3A, %swap3A_95], %swap3A_98 {add = true, strides = array<i32>} : memref<128x64xf32, #tpu.memory_space<vmem>>, vector<1x16xf32>,
        %get3A_99 = arith.index_cast %add3A_91 : i32 to index
        %get3A_100 = arith.constant 16 : index
        %get3A_101 = tpu.vector_load %arg7[%get3A_99, %get3A_100] {strides = array<i32>} : memref<328x64xf32, #tpu.memory_space<vmem>>, vector<1x16xf32>,
        %get3A_102 = vector.shape_cast %get3A_101 : vector<1x16xf32> to vector<16xf32>
        %swap3A_103 = arith.index_cast %scan3A_90 : i32 to index
        %swap3A_104 = arith.constant 16 : index
        %swap3A_105 = tpu.vector_load %arg9[%swap3A_103, %swap3A_104] {strides = array<i32>} : memref<128x64xf32, #tpu.memory_space<vmem>>, vector<1x16xf32>,
        %swap3A_106 = vector.shape_cast %swap3A_105 : vector<1x16xf32> to vector<16xf32>
        %swap3A_107 = vector.shape_cast %get3A_102 : vector<16xf32> to vector<1x16xf32>
        tpu.vector_store %arg9[%swap3A_103, %swap3A_104], %swap3A_107 {add = true, strides = array<i32>} : memref<128x64xf32, #tpu.memory_space<vmem>>, vector<1x16xf32>,
        %get3A_108 = arith.index_cast %add3A_91 : i32 to index
        %get3A_109 = arith.constant 32 : index
        %get3A_110 = tpu.vector_load %arg7[%get3A_108, %get3A_109] {strides = array<i32>} : memref<328x64xf32, #tpu.memory_space<vmem>>, vector<1x16xf32>,
        %get3A_111 = vector.shape_cast %get3A_110 : vector<1x16xf32> to vector<16xf32>
        %swap3A_112 = arith.index_cast %scan3A_90 : i32 to index
        %swap3A_113 = arith.constant 32 : index
        %swap3A_114 = tpu.vector_load %arg9[%swap3A_112, %swap3A_113] {strides = array<i32>} : memref<128x64xf32, #tpu.memory_space<vmem>>, vector<1x16xf32>,
        %swap3A_115 = vector.shape_cast %swap3A_114 : vector<1x16xf32> to vector<16xf32>
        %swap3A_116 = vector.shape_cast %get3A_111 : vector<16xf32> to vector<1x16xf32>
        tpu.vector_store %arg9[%swap3A_112, %swap3A_113], %swap3A_116 {add = true, strides = array<i32>} : memref<128x64xf32, #tpu.memory_space<vmem>>, vector<1x16xf32>,
        %get3A_117 = arith.index_cast %add3A_91 : i32 to index
        %get3A_118 = arith.constant 48 : index
        %get3A_119 = tpu.vector_load %arg7[%get3A_117, %get3A_118] {strides = array<i32>} : memref<328x64xf32, #tpu.memory_space<vmem>>, vector<1x16xf32>,
        %get3A_120 = vector.shape_cast %get3A_119 : vector<1x16xf32> to vector<16xf32>
        %swap3A_121 = arith.index_cast %scan3A_90 : i32 to index
        %swap3A_122 = arith.constant 48 : index
        %swap3A_123 = tpu.vector_load %arg9[%swap3A_121, %swap3A_122] {strides = array<i32>} : memref<128x64xf32, #tpu.memory_space<vmem>>, vector<1x16xf32>,
        %swap3A_124 = vector.shape_cast %swap3A_123 : vector<1x16xf32> to vector<16xf32>
        %swap3A_125 = vector.shape_cast %get3A_120 : vector<16xf32> to vector<1x16xf32>
        tpu.vector_store %arg9[%swap3A_121, %swap3A_122], %swap3A_125 {add = true, strides = array<i32>} : memref<128x64xf32, #tpu.memory_space<vmem>>, vector<1x16xf32>,
        %scan3A_126 = arith.constant 1 : i32
        %scan3A_127 = arith.addi %scan3A_90, %scan3A_126 : i32
        %add3A_128 = arith.addi %rem3A_76, %scan3A_127 : i32
        %get3A_129 = arith.index_cast %add3A_128 : i32 to index
        %get3A_130 = arith.constant 0 : index
        %get3A_131 = tpu.vector_load %arg7[%get3A_129, %get3A_130] {strides = array<i32>} : memref<328x64xf32, #tpu.memory_space<vmem>>, vector<1x16xf32>,
        %get3A_132 = vector.shape_cast %get3A_131 : vector<1x16xf32> to vector<16xf32>
        %swap3A_133 = arith.index_cast %scan3A_127 : i32 to index
        %swap3A_134 = arith.constant 0 : index
        %swap3A_135 = tpu.vector_load %arg9[%swap3A_133, %swap3A_134] {strides = array<i32>} : memref<128x64xf32, #tpu.memory_space<vmem>>, vector<1x16xf32>,
        %swap3A_136 = vector.shape_cast %swap3A_135 : vector<1x16xf32> to vector<16xf32>
        %swap3A_137 = vector.shape_cast %get3A_132 : vector<16xf32> to vector<1x16xf32>
        tpu.vector_store %arg9[%swap3A_133, %swap3A_134], %swap3A_137 {add = true, strides = array<i32>} : memref<128x64xf32, #tpu.memory_space<vmem>>, vector<1x16xf32>,
        %get3A_138 = arith.index_cast %add3A_128 : i32 to index
        %get3A_139 = arith.constant 16 : index
        %get3A_140 = tpu.vector_load %arg7[%get3A_138, %get3A_139] {strides = array<i32>} : memref<328x64xf32, #tpu.memory_space<vmem>>, vector<1x16xf32>,
        %get3A_141 = vector.shape_cast %get3A_140 : vector<1x16xf32> to vector<16xf32>
        %swap3A_142 = arith.index_cast %scan3A_127 : i32 to index
        %swap3A_143 = arith.constant 16 : index
        %swap3A_144 = tpu.vector_load %arg9[%swap3A_142, %swap3A_143] {strides = array<i32>} : memref<128x64xf32, #tpu.memory_space<vmem>>, vector<1x16xf32>,
        %swap3A_145 = vector.shape_cast %swap3A_144 : vector<1x16xf32> to vector<16xf32>
        %swap3A_146 = vector.shape_cast %get3A_141 : vector<16xf32> to vector<1x16xf32>
        tpu.vector_store %arg9[%swap3A_142, %swap3A_143], %swap3A_146 {add = true, strides = array<i32>} : memref<128x64xf32, #tpu.memory_space<vmem>>, vector<1x16xf32>,
        %get3A_147 = arith.index_cast %add3A_128 : i32 to index
        %get3A_148 = arith.constant 32 : index
        %get3A_149 = tpu.vector_load %arg7[%get3A_147, %get3A_148] {strides = array<i32>} : memref<328x64xf32, #tpu.memory_space<vmem>>, vector<1x16xf32>,
        %get3A_150 = vector.shape_cast %get3A_149 : vector<1x16xf32> to vector<16xf32>
        %swap3A_151 = arith.index_cast %scan3A_127 : i32 to index
        %swap3A_152 = arith.constant 32 : index
        %swap3A_153 = tpu.vector_load %arg9[%swap3A_151, %swap3A_152] {strides = array<i32>} : memref<128x64xf32, #tpu.memory_space<vmem>>, vector<1x16xf32>,
        %swap3A_154 = vector.shape_cast %swap3A_153 : vector<1x16xf32> to vector<16xf32>
        %swap3A_155 = vector.shape_cast %get3A_150 : vector<16xf32> to vector<1x16xf32>
        tpu.vector_store %arg9[%swap3A_151, %swap3A_152], %swap3A_155 {add = true, strides = array<i32>} : memref<128x64xf32, #tpu.memory_space<vmem>>, vector<1x16xf32>,
        %get3A_156 = arith.index_cast %add3A_128 : i32 to index
        %get3A_157 = arith.constant 48 : index
        %get3A_158 = tpu.vector_load %arg7[%get3A_156, %get3A_157] {strides = array<i32>} : memref<328x64xf32, #tpu.memory_space<vmem>>, vector<1x16xf32>,
        %get3A_159 = vector.shape_cast %get3A_158 : vector<1x16xf32> to vector<16xf32>
        %swap3A_160 = arith.index_cast %scan3A_127 : i32 to index
        %swap3A_161 = arith.constant 48 : index
        %swap3A_162 = tpu.vector_load %arg9[%swap3A_160, %swap3A_161] {strides = array<i32>} : memref<128x64xf32, #tpu.memory_space<vmem>>, vector<1x16xf32>,
        %swap3A_163 = vector.shape_cast %swap3A_162 : vector<1x16xf32> to vector<16xf32>
        %swap3A_164 = vector.shape_cast %get3A_159 : vector<16xf32> to vector<1x16xf32>
        tpu.vector_store %arg9[%swap3A_160, %swap3A_161], %swap3A_164 {add = true, strides = array<i32>} : memref<128x64xf32, #tpu.memory_space<vmem>>, vector<1x16xf32>,
        %scan3A_165 = arith.constant 2 : i32
        %scan3A_166 = arith.addi %scan3A_90, %scan3A_165 : i32
        %add3A_167 = arith.addi %rem3A_76, %scan3A_166 : i32
        %get3A_168 = arith.index_cast %add3A_167 : i32 to index
        %get3A_169 = arith.constant 0 : index
        %get3A_170 = tpu.vector_load %arg7[%get3A_168, %get3A_169] {strides = array<i32>} : memref<328x64xf32, #tpu.memory_space<vmem>>, vector<1x16xf32>,
        %get3A_171 = vector.shape_cast %get3A_170 : vector<1x16xf32> to vector<16xf32>
        %swap3A_172 = arith.index_cast %scan3A_166 : i32 to index
        %swap3A_173 = arith.constant 0 : index
        %swap3A_174 = tpu.vector_load %arg9[%swap3A_172, %swap3A_173] {strides = array<i32>} : memref<128x64xf32, #tpu.memory_space<vmem>>, vector<1x16xf32>,
        %swap3A_175 = vector.shape_cast %swap3A_174 : vector<1x16xf32> to vector<16xf32>
        %swap3A_176 = vector.shape_cast %get3A_171 : vector<16xf32> to vector<1x16xf32>
        tpu.vector_store %arg9[%swap3A_172, %swap3A_173], %swap3A_176 {add = true, strides = array<i32>} : memref<128x64xf32, #tpu.memory_space<vmem>>, vector<1x16xf32>,
        %get3A_177 = arith.index_cast %add3A_167 : i32 to index
        %get3A_178 = arith.constant 16 : index
        %get3A_179 = tpu.vector_load %arg7[%get3A_177, %get3A_178] {strides = array<i32>} : memref<328x64xf32, #tpu.memory_space<vmem>>, vector<1x16xf32>,
        %get3A_180 = vector.shape_cast %get3A_179 : vector<1x16xf32> to vector<16xf32>
        %swap3A_181 = arith.index_cast %scan3A_166 : i32 to index
        %swap3A_182 = arith.constant 16 : index
        %swap3A_183 = tpu.vector_load %arg9[%swap3A_181, %swap3A_182] {strides = array<i32>} : memref<128x64xf32, #tpu.memory_space<vmem>>, vector<1x16xf32>,
        %swap3A_184 = vector.shape_cast %swap3A_183 : vector<1x16xf32> to vector<16xf32>
        %swap3A_185 = vector.shape_cast %get3A_180 : vector<16xf32> to vector<1x16xf32>
        tpu.vector_store %arg9[%swap3A_181, %swap3A_182], %swap3A_185 {add = true, strides = array<i32>} : memref<128x64xf32, #tpu.memory_space<vmem>>, vector<1x16xf32>,
        %get3A_186 = arith.index_cast %add3A_167 : i32 to index
        %get3A_187 = arith.constant 32 : index
        %get3A_188 = tpu.vector_load %arg7[%get3A_186, %get3A_187] {strides = array<i32>} : memref<328x64xf32, #tpu.memory_space<vmem>>, vector<1x16xf32>,
        %get3A_189 = vector.shape_cast %get3A_188 : vector<1x16xf32> to vector<16xf32>
        %swap3A_190 = arith.index_cast %scan3A_166 : i32 to index
        %swap3A_191 = arith.constant 32 : index
        %swap3A_192 = tpu.vector_load %arg9[%swap3A_190, %swap3A_191] {strides = array<i32>} : memref<128x64xf32, #tpu.memory_space<vmem>>, vector<1x16xf32>,
        %swap3A_193 = vector.shape_cast %swap3A_192 : vector<1x16xf32> to vector<16xf32>
        %swap3A_194 = vector.shape_cast %get3A_189 : vector<16xf32> to vector<1x16xf32>
        tpu.vector_store %arg9[%swap3A_190, %swap3A_191], %swap3A_194 {add = true, strides = array<i32>} : memref<128x64xf32, #tpu.memory_space<vmem>>, vector<1x16xf32>,
        %get3A_195 = arith.index_cast %add3A_167 : i32 to index
        %get3A_196 = arith.constant 48 : index
        %get3A_197 = tpu.vector_load %arg7[%get3A_195, %get3A_196] {strides = array<i32>} : memref<328x64xf32, #tpu.memory_space<vmem>>, vector<1x16xf32>,
        %get3A_198 = vector.shape_cast %get3A_197 : vector<1x16xf32> to vector<16xf32>
        %swap3A_199 = arith.index_cast %scan3A_166 : i32 to index
        %swap3A_200 = arith.constant 48 : index
        %swap3A_201 = tpu.vector_load %arg9[%swap3A_199, %swap3A_200] {strides = array<i32>} : memref<128x64xf32, #tpu.memory_space<vmem>>, vector<1x16xf32>,
        %swap3A_202 = vector.shape_cast %swap3A_201 : vector<1x16xf32> to vector<16xf32>
        %swap3A_203 = vector.shape_cast %get3A_198 : vector<16xf32> to vector<1x16xf32>
        tpu.vector_store %arg9[%swap3A_199, %swap3A_200], %swap3A_203 {add = true, strides = array<i32>} : memref<128x64xf32, #tpu.memory_space<vmem>>, vector<1x16xf32>,
        %scan3A_204 = arith.constant 3 : i32
        %scan3A_205 = arith.addi %scan3A_90, %scan3A_204 : i32
        %add3A_206 = arith.addi %rem3A_76, %scan3A_205 : i32
        %get3A_207 = arith.index_cast %add3A_206 : i32 to index
        %get3A_208 = arith.constant 0 : index
        %get3A_209 = tpu.vector_load %arg7[%get3A_207, %get3A_208] {strides = array<i32>} : memref<328x64xf32, #tpu.memory_space<vmem>>, vector<1x16xf32>,
        %get3A_210 = vector.shape_cast %get3A_209 : vector<1x16xf32> to vector<16xf32>
        %swap3A_211 = arith.index_cast %scan3A_205 : i32 to index
        %swap3A_212 = arith.constant 0 : index
        %swap3A_213 = tpu.vector_load %arg9[%swap3A_211, %swap3A_212] {strides = array<i32>} : memref<128x64xf32, #tpu.memory_space<vmem>>, vector<1x16xf32>,
        %swap3A_214 = vector.shape_cast %swap3A_213 : vector<1x16xf32> to vector<16xf32>
        %swap3A_215 = vector.shape_cast %get3A_210 : vector<16xf32> to vector<1x16xf32>
        tpu.vector_store %arg9[%swap3A_211, %swap3A_212], %swap3A_215 {add = true, strides = array<i32>} : memref<128x64xf32, #tpu.memory_space<vmem>>, vector<1x16xf32>,
        %get3A_216 = arith.index_cast %add3A_206 : i32 to index
        %get3A_217 = arith.constant 16 : index
        %get3A_218 = tpu.vector_load %arg7[%get3A_216, %get3A_217] {strides = array<i32>} : memref<328x64xf32, #tpu.memory_space<vmem>>, vector<1x16xf32>,
        %get3A_219 = vector.shape_cast %get3A_218 : vector<1x16xf32> to vector<16xf32>
        %swap3A_220 = arith.index_cast %scan3A_205 : i32 to index
        %swap3A_221 = arith.constant 16 : index
        %swap3A_222 = tpu.vector_load %arg9[%swap3A_220, %swap3A_221] {strides = array<i32>} : memref<128x64xf32, #tpu.memory_space<vmem>>, vector<1x16xf32>,
        %swap3A_223 = vector.shape_cast %swap3A_222 : vector<1x16xf32> to vector<16xf32>
        %swap3A_224 = vector.shape_cast %get3A_219 : vector<16xf32> to vector<1x16xf32>
        tpu.vector_store %arg9[%swap3A_220, %swap3A_221], %swap3A_224 {add = true, strides = array<i32>} : memref<128x64xf32, #tpu.memory_space<vmem>>, vector<1x16xf32>,
        %get3A_225 = arith.index_cast %add3A_206 : i32 to index
        %get3A_226 = arith.constant 32 : index
        %get3A_227 = tpu.vector_load %arg7[%get3A_225, %get3A_226] {strides = array<i32>} : memref<328x64xf32, #tpu.memory_space<vmem>>, vector<1x16xf32>,
        %get3A_228 = vector.shape_cast %get3A_227 : vector<1x16xf32> to vector<16xf32>
        %swap3A_229 = arith.index_cast %scan3A_205 : i32 to index
        %swap3A_230 = arith.constant 32 : index
        %swap3A_231 = tpu.vector_load %arg9[%swap3A_229, %swap3A_230] {strides = array<i32>} : memref<128x64xf32, #tpu.memory_space<vmem>>, vector<1x16xf32>,
        %swap3A_232 = vector.shape_cast %swap3A_231 : vector<1x16xf32> to vector<16xf32>
        %swap3A_233 = vector.shape_cast %get3A_228 : vector<16xf32> to vector<1x16xf32>
        tpu.vector_store %arg9[%swap3A_229, %swap3A_230], %swap3A_233 {add = true, strides = array<i32>} : memref<128x64xf32, #tpu.memory_space<vmem>>, vector<1x16xf32>,
        %get3A_234 = arith.index_cast %add3A_206 : i32 to index
        %get3A_235 = arith.constant 48 : index
        %get3A_236 = tpu.vector_load %arg7[%get3A_234, %get3A_235] {strides = array<i32>} : memref<328x64xf32, #tpu.memory_space<vmem>>, vector<1x16xf32>,
        %get3A_237 = vector.shape_cast %get3A_236 : vector<1x16xf32> to vector<16xf32>
        %swap3A_238 = arith.index_cast %scan3A_205 : i32 to index
        %swap3A_239 = arith.constant 48 : index
        %swap3A_240 = tpu.vector_load %arg9[%swap3A_238, %swap3A_239] {strides = array<i32>} : memref<128x64xf32, #tpu.memory_space<vmem>>, vector<1x16xf32>,
        %swap3A_241 = vector.shape_cast %swap3A_240 : vector<1x16xf32> to vector<16xf32>
        %swap3A_242 = vector.shape_cast %get3A_237 : vector<16xf32> to vector<1x16xf32>
        tpu.vector_store %arg9[%swap3A_238, %swap3A_239], %swap3A_242 {add = true, strides = array<i32>} : memref<128x64xf32, #tpu.memory_space<vmem>>, vector<1x16xf32>,
        %scan3A_243 = arith.constant 4 : i32
        %scan3A_244 = arith.addi %scan3A_90, %scan3A_243 : i32
        %add3A_245 = arith.addi %rem3A_76, %scan3A_244 : i32
        %get3A_246 = arith.index_cast %add3A_245 : i32 to index
        %get3A_247 = arith.constant 0 : index
        %get3A_248 = tpu.vector_load %arg7[%get3A_246, %get3A_247] {strides = array<i32>} : memref<328x64xf32, #tpu.memory_space<vmem>>, vector<1x16xf32>,
        %get3A_249 = vector.shape_cast %get3A_248 : vector<1x16xf32> to vector<16xf32>
        %swap3A_250 = arith.index_cast %scan3A_244 : i32 to index
        %swap3A_251 = arith.constant 0 : index
        %swap3A_252 = tpu.vector_load %arg9[%swap3A_250, %swap3A_251] {strides = array<i32>} : memref<128x64xf32, #tpu.memory_space<vmem>>, vector<1x16xf32>,
        %swap3A_253 = vector.shape_cast %swap3A_252 : vector<1x16xf32> to vector<16xf32>
        %swap3A_254 = vector.shape_cast %get3A_249 : vector<16xf32> to vector<1x16xf32>
        tpu.vector_store %arg9[%swap3A_250, %swap3A_251], %swap3A_254 {add = true, strides = array<i32>} : memref<128x64xf32, #tpu.memory_space<vmem>>, vector<1x16xf32>,
        %get3A_255 = arith.index_cast %add3A_245 : i32 to index
        %get3A_256 = arith.constant 16 : index
        %get3A_257 = tpu.vector_load %arg7[%get3A_255, %get3A_256] {strides = array<i32>} : memref<328x64xf32, #tpu.memory_space<vmem>>, vector<1x16xf32>,
        %get3A_258 = vector.shape_cast %get3A_257 : vector<1x16xf32> to vector<16xf32>
        %swap3A_259 = arith.index_cast %scan3A_244 : i32 to index
        %swap3A_260 = arith.constant 16 : index
        %swap3A_261 = tpu.vector_load %arg9[%swap3A_259, %swap3A_260] {strides = array<i32>} : memref<128x64xf32, #tpu.memory_space<vmem>>, vector<1x16xf32>,
        %swap3A_262 = vector.shape_cast %swap3A_261 : vector<1x16xf32> to vector<16xf32>
        %swap3A_263 = vector.shape_cast %get3A_258 : vector<16xf32> to vector<1x16xf32>
        tpu.vector_store %arg9[%swap3A_259, %swap3A_260], %swap3A_263 {add = true, strides = array<i32>} : memref<128x64xf32, #tpu.memory_space<vmem>>, vector<1x16xf32>,
        %get3A_264 = arith.index_cast %add3A_245 : i32 to index
        %get3A_265 = arith.constant 32 : index
        %get3A_266 = tpu.vector_load %arg7[%get3A_264, %get3A_265] {strides = array<i32>} : memref<328x64xf32, #tpu.memory_space<vmem>>, vector<1x16xf32>,
        %get3A_267 = vector.shape_cast %get3A_266 : vector<1x16xf32> to vector<16xf32>
        %swap3A_268 = arith.index_cast %scan3A_244 : i32 to index
        %swap3A_269 = arith.constant 32 : index
        %swap3A_270 = tpu.vector_load %arg9[%swap3A_268, %swap3A_269] {strides = array<i32>} : memref<128x64xf32, #tpu.memory_space<vmem>>, vector<1x16xf32>,
        %swap3A_271 = vector.shape_cast %swap3A_270 : vector<1x16xf32> to vector<16xf32>
        %swap3A_272 = vector.shape_cast %get3A_267 : vector<16xf32> to vector<1x16xf32>
        tpu.vector_store %arg9[%swap3A_268, %swap3A_269], %swap3A_272 {add = true, strides = array<i32>} : memref<128x64xf32, #tpu.memory_space<vmem>>, vector<1x16xf32>,
        %get3A_273 = arith.index_cast %add3A_245 : i32 to index
        %get3A_274 = arith.constant 48 : index
        %get3A_275 = tpu.vector_load %arg7[%get3A_273, %get3A_274] {strides = array<i32>} : memref<328x64xf32, #tpu.memory_space<vmem>>, vector<1x16xf32>,
        %get3A_276 = vector.shape_cast %get3A_275 : vector<1x16xf32> to vector<16xf32>
        %swap3A_277 = arith.index_cast %scan3A_244 : i32 to index
        %swap3A_278 = arith.constant 48 : index
        %swap3A_279 = tpu.vector_load %arg9[%swap3A_277, %swap3A_278] {strides = array<i32>} : memref<128x64xf32, #tpu.memory_space<vmem>>, vector<1x16xf32>,
        %swap3A_280 = vector.shape_cast %swap3A_279 : vector<1x16xf32> to vector<16xf32>
        %swap3A_281 = vector.shape_cast %get3A_276 : vector<16xf32> to vector<1x16xf32>
        tpu.vector_store %arg9[%swap3A_277, %swap3A_278], %swap3A_281 {add = true, strides = array<i32>} : memref<128x64xf32, #tpu.memory_space<vmem>>, vector<1x16xf32>,
        %scan3A_282 = arith.constant 5 : i32
        %scan3A_283 = arith.addi %scan3A_90, %scan3A_282 : i32
        %add3A_284 = arith.addi %rem3A_76, %scan3A_283 : i32
        %get3A_285 = arith.index_cast %add3A_284 : i32 to index
        %get3A_286 = arith.constant 0 : index
        %get3A_287 = tpu.vector_load %arg7[%get3A_285, %get3A_286] {strides = array<i32>} : memref<328x64xf32, #tpu.memory_space<vmem>>, vector<1x16xf32>,
        %get3A_288 = vector.shape_cast %get3A_287 : vector<1x16xf32> to vector<16xf32>
        %swap3A_289 = arith.index_cast %scan3A_283 : i32 to index
        %swap3A_290 = arith.constant 0 : index
        %swap3A_291 = tpu.vector_load %arg9[%swap3A_289, %swap3A_290] {strides = array<i32>} : memref<128x64xf32, #tpu.memory_space<vmem>>, vector<1x16xf32>,
        %swap3A_292 = vector.shape_cast %swap3A_291 : vector<1x16xf32> to vector<16xf32>
        %swap3A_293 = vector.shape_cast %get3A_288 : vector<16xf32> to vector<1x16xf32>
        tpu.vector_store %arg9[%swap3A_289, %swap3A_290], %swap3A_293 {add = true, strides = array<i32>} : memref<128x64xf32, #tpu.memory_space<vmem>>, vector<1x16xf32>,
        %get3A_294 = arith.index_cast %add3A_284 : i32 to index
        %get3A_295 = arith.constant 16 : index
        %get3A_296 = tpu.vector_load %arg7[%get3A_294, %get3A_295] {strides = array<i32>} : memref<328x64xf32, #tpu.memory_space<vmem>>, vector<1x16xf32>,
        %get3A_297 = vector.shape_cast %get3A_296 : vector<1x16xf32> to vector<16xf32>
        %swap3A_298 = arith.index_cast %scan3A_283 : i32 to index
        %swap3A_299 = arith.constant 16 : index
        %swap3A_300 = tpu.vector_load %arg9[%swap3A_298, %swap3A_299] {strides = array<i32>} : memref<128x64xf32, #tpu.memory_space<vmem>>, vector<1x16xf32>,
        %swap3A_301 = vector.shape_cast %swap3A_300 : vector<1x16xf32> to vector<16xf32>
        %swap3A_302 = vector.shape_cast %get3A_297 : vector<16xf32> to vector<1x16xf32>
        tpu.vector_store %arg9[%swap3A_298, %swap3A_299], %swap3A_302 {add = true, strides = array<i32>} : memref<128x64xf32, #tpu.memory_space<vmem>>, vector<1x16xf32>,
        %get3A_303 = arith.index_cast %add3A_284 : i32 to index
        %get3A_304 = arith.constant 32 : index
        %get3A_305 = tpu.vector_load %arg7[%get3A_303, %get3A_304] {strides = array<i32>} : memref<328x64xf32, #tpu.memory_space<vmem>>, vector<1x16xf32>,
        %get3A_306 = vector.shape_cast %get3A_305 : vector<1x16xf32> to vector<16xf32>
        %swap3A_307 = arith.index_cast %scan3A_283 : i32 to index
        %swap3A_308 = arith.constant 32 : index
        %swap3A_309 = tpu.vector_load %arg9[%swap3A_307, %swap3A_308] {strides = array<i32>} : memref<128x64xf32, #tpu.memory_space<vmem>>, vector<1x16xf32>,
        %swap3A_310 = vector.shape_cast %swap3A_309 : vector<1x16xf32> to vector<16xf32>
        %swap3A_311 = vector.shape_cast %get3A_306 : vector<16xf32> to vector<1x16xf32>
        tpu.vector_store %arg9[%swap3A_307, %swap3A_308], %swap3A_311 {add = true, strides = array<i32>} : memref<128x64xf32, #tpu.memory_space<vmem>>, vector<1x16xf32>,
        %get3A_312 = arith.index_cast %add3A_284 : i32 to index
        %get3A_313 = arith.constant 48 : index
        %get3A_314 = tpu.vector_load %arg7[%get3A_312, %get3A_313] {strides = array<i32>} : memref<328x64xf32, #tpu.memory_space<vmem>>, vector<1x16xf32>,
        %get3A_315 = vector.shape_cast %get3A_314 : vector<1x16xf32> to vector<16xf32>
        %swap3A_316 = arith.index_cast %scan3A_283 : i32 to index
        %swap3A_317 = arith.constant 48 : index
        %swap3A_318 = tpu.vector_load %arg9[%swap3A_316, %swap3A_317] {strides = array<i32>} : memref<128x64xf32, #tpu.memory_space<vmem>>, vector<1x16xf32>,
        %swap3A_319 = vector.shape_cast %swap3A_318 : vector<1x16xf32> to vector<16xf32>
        %swap3A_320 = vector.shape_cast %get3A_315 : vector<16xf32> to vector<1x16xf32>
        tpu.vector_store %arg9[%swap3A_316, %swap3A_317], %swap3A_320 {add = true, strides = array<i32>} : memref<128x64xf32, #tpu.memory_space<vmem>>, vector<1x16xf32>,
        %scan3A_321 = arith.constant 6 : i32
        %scan3A_322 = arith.addi %scan3A_90, %scan3A_321 : i32
        %add3A_323 = arith.addi %rem3A_76, %scan3A_322 : i32
        %get3A_324 = arith.index_cast %add3A_323 : i32 to index
        %get3A_325 = arith.constant 0 : index
        %get3A_326 = tpu.vector_load %arg7[%get3A_324, %get3A_325] {strides = array<i32>} : memref<328x64xf32, #tpu.memory_space<vmem>>, vector<1x16xf32>,
        %get3A_327 = vector.shape_cast %get3A_326 : vector<1x16xf32> to vector<16xf32>
        %swap3A_328 = arith.index_cast %scan3A_322 : i32 to index
        %swap3A_329 = arith.constant 0 : index
        %swap3A_330 = tpu.vector_load %arg9[%swap3A_328, %swap3A_329] {strides = array<i32>} : memref<128x64xf32, #tpu.memory_space<vmem>>, vector<1x16xf32>,
        %swap3A_331 = vector.shape_cast %swap3A_330 : vector<1x16xf32> to vector<16xf32>
        %swap3A_332 = vector.shape_cast %get3A_327 : vector<16xf32> to vector<1x16xf32>
        tpu.vector_store %arg9[%swap3A_328, %swap3A_329], %swap3A_332 {add = true, strides = array<i32>} : memref<128x64xf32, #tpu.memory_space<vmem>>, vector<1x16xf32>,
        %get3A_333 = arith.index_cast %add3A_323 : i32 to index
        %get3A_334 = arith.constant 16 : index
        %get3A_335 = tpu.vector_load %arg7[%get3A_333, %get3A_334] {strides = array<i32>} : memref<328x64xf32, #tpu.memory_space<vmem>>, vector<1x16xf32>,
        %get3A_336 = vector.shape_cast %get3A_335 : vector<1x16xf32> to vector<16xf32>
        %swap3A_337 = arith.index_cast %scan3A_322 : i32 to index
        %swap3A_338 = arith.constant 16 : index
        %swap3A_339 = tpu.vector_load %arg9[%swap3A_337, %swap3A_338] {strides = array<i32>} : memref<128x64xf32, #tpu.memory_space<vmem>>, vector<1x16xf32>,
        %swap3A_340 = vector.shape_cast %swap3A_339 : vector<1x16xf32> to vector<16xf32>
        %swap3A_341 = vector.shape_cast %get3A_336 : vector<16xf32> to vector<1x16xf32>
        tpu.vector_store %arg9[%swap3A_337, %swap3A_338], %swap3A_341 {add = true, strides = array<i32>} : memref<128x64xf32, #tpu.memory_space<vmem>>, vector<1x16xf32>,
        %get3A_342 = arith.index_cast %add3A_323 : i32 to index
        %get3A_343 = arith.constant 32 : index
        %get3A_344 = tpu.vector_load %arg7[%get3A_342, %get3A_343] {strides = array<i32>} : memref<328x64xf32, #tpu.memory_space<vmem>>, vector<1x16xf32>,
        %get3A_345 = vector.shape_cast %get3A_344 : vector<1x16xf32> to vector<16xf32>
        %swap3A_346 = arith.index_cast %scan3A_322 : i32 to index
        %swap3A_347 = arith.constant 32 : index
        %swap3A_348 = tpu.vector_load %arg9[%swap3A_346, %swap3A_347] {strides = array<i32>} : memref<128x64xf32, #tpu.memory_space<vmem>>, vector<1x16xf32>,
        %swap3A_349 = vector.shape_cast %swap3A_348 : vector<1x16xf32> to vector<16xf32>
        %swap3A_350 = vector.shape_cast %get3A_345 : vector<16xf32> to vector<1x16xf32>
        tpu.vector_store %arg9[%swap3A_346, %swap3A_347], %swap3A_350 {add = true, strides = array<i32>} : memref<128x64xf32, #tpu.memory_space<vmem>>, vector<1x16xf32>,
        %get3A_351 = arith.index_cast %add3A_323 : i32 to index
        %get3A_352 = arith.constant 48 : index
        %get3A_353 = tpu.vector_load %arg7[%get3A_351, %get3A_352] {strides = array<i32>} : memref<328x64xf32, #tpu.memory_space<vmem>>, vector<1x16xf32>,
        %get3A_354 = vector.shape_cast %get3A_353 : vector<1x16xf32> to vector<16xf32>
        %swap3A_355 = arith.index_cast %scan3A_322 : i32 to index
        %swap3A_356 = arith.constant 48 : index
        %swap3A_357 = tpu.vector_load %arg9[%swap3A_355, %swap3A_356] {strides = array<i32>} : memref<128x64xf32, #tpu.memory_space<vmem>>, vector<1x16xf32>,
        %swap3A_358 = vector.shape_cast %swap3A_357 : vector<1x16xf32> to vector<16xf32>
        %swap3A_359 = vector.shape_cast %get3A_354 : vector<16xf32> to vector<1x16xf32>
        tpu.vector_store %arg9[%swap3A_355, %swap3A_356], %swap3A_359 {add = true, strides = array<i32>} : memref<128x64xf32, #tpu.memory_space<vmem>>, vector<1x16xf32>,
        %scan3A_360 = arith.constant 7 : i32
        %scan3A_361 = arith.addi %scan3A_90, %scan3A_360 : i32
        %add3A_362 = arith.addi %rem3A_76, %scan3A_361 : i32
        %get3A_363 = arith.index_cast %add3A_362 : i32 to index
        %get3A_364 = arith.constant 0 : index
        %get3A_365 = tpu.vector_load %arg7[%get3A_363, %get3A_364] {strides = array<i32>} : memref<328x64xf32, #tpu.memory_space<vmem>>, vector<1x16xf32>,
        %get3A_366 = vector.shape_cast %get3A_365 : vector<1x16xf32> to vector<16xf32>
        %swap3A_367 = arith.index_cast %scan3A_361 : i32 to index
        %swap3A_368 = arith.constant 0 : index
        %swap3A_369 = tpu.vector_load %arg9[%swap3A_367, %swap3A_368] {strides = array<i32>} : memref<128x64xf32, #tpu.memory_space<vmem>>, vector<1x16xf32>,
        %swap3A_370 = vector.shape_cast %swap3A_369 : vector<1x16xf32> to vector<16xf32>
        %swap3A_371 = vector.shape_cast %get3A_366 : vector<16xf32> to vector<1x16xf32>
        tpu.vector_store %arg9[%swap3A_367, %swap3A_368], %swap3A_371 {add = true, strides = array<i32>} : memref<128x64xf32, #tpu.memory_space<vmem>>, vector<1x16xf32>,
        %get3A_372 = arith.index_cast %add3A_362 : i32 to index
        %get3A_373 = arith.constant 16 : index
        %get3A_374 = tpu.vector_load %arg7[%get3A_372, %get3A_373] {strides = array<i32>} : memref<328x64xf32, #tpu.memory_space<vmem>>, vector<1x16xf32>,
        %get3A_375 = vector.shape_cast %get3A_374 : vector<1x16xf32> to vector<16xf32>
        %swap3A_376 = arith.index_cast %scan3A_361 : i32 to index
        %swap3A_377 = arith.constant 16 : index
        %swap3A_378 = tpu.vector_load %arg9[%swap3A_376, %swap3A_377] {strides = array<i32>} : memref<128x64xf32, #tpu.memory_space<vmem>>, vector<1x16xf32>,
        %swap3A_379 = vector.shape_cast %swap3A_378 : vector<1x16xf32> to vector<16xf32>
        %swap3A_380 = vector.shape_cast %get3A_375 : vector<16xf32> to vector<1x16xf32>
        tpu.vector_store %arg9[%swap3A_376, %swap3A_377], %swap3A_380 {add = true, strides = array<i32>} : memref<128x64xf32, #tpu.memory_space<vmem>>, vector<1x16xf32>,
        %get3A_381 = arith.index_cast %add3A_362 : i32 to index
        %get3A_382 = arith.constant 32 : index
        %get3A_383 = tpu.vector_load %arg7[%get3A_381, %get3A_382] {strides = array<i32>} : memref<328x64xf32, #tpu.memory_space<vmem>>, vector<1x16xf32>,
        %get3A_384 = vector.shape_cast %get3A_383 : vector<1x16xf32> to vector<16xf32>
        %swap3A_385 = arith.index_cast %scan3A_361 : i32 to index
        %swap3A_386 = arith.constant 32 : index
        %swap3A_387 = tpu.vector_load %arg9[%swap3A_385, %swap3A_386] {strides = array<i32>} : memref<128x64xf32, #tpu.memory_space<vmem>>, vector<1x16xf32>,
        %swap3A_388 = vector.shape_cast %swap3A_387 : vector<1x16xf32> to vector<16xf32>
        %swap3A_389 = vector.shape_cast %get3A_384 : vector<16xf32> to vector<1x16xf32>
        tpu.vector_store %arg9[%swap3A_385, %swap3A_386], %swap3A_389 {add = true, strides = array<i32>} : memref<128x64xf32, #tpu.memory_space<vmem>>, vector<1x16xf32>,
        %get3A_390 = arith.index_cast %add3A_362 : i32 to index
        %get3A_391 = arith.constant 48 : index
        %get3A_392 = tpu.vector_load %arg7[%get3A_390, %get3A_391] {strides = array<i32>} : memref<328x64xf32, #tpu.memory_space<vmem>>, vector<1x16xf32>,
        %get3A_393 = vector.shape_cast %get3A_392 : vector<1x16xf32> to vector<16xf32>
        %swap3A_394 = arith.index_cast %scan3A_361 : i32 to index
        %swap3A_395 = arith.constant 48 : index
        %swap3A_396 = tpu.vector_load %arg9[%swap3A_394, %swap3A_395] {strides = array<i32>} : memref<128x64xf32, #tpu.memory_space<vmem>>, vector<1x16xf32>,
        %swap3A_397 = vector.shape_cast %swap3A_396 : vector<1x16xf32> to vector<16xf32>
        %swap3A_398 = vector.shape_cast %get3A_393 : vector<16xf32> to vector<1x16xf32>
        tpu.vector_store %arg9[%swap3A_394, %swap3A_395], %swap3A_398 {add = true, strides = array<i32>} : memref<128x64xf32, #tpu.memory_space<vmem>>, vector<1x16xf32>,
      }
      %scan3A_82 = arith.constant 128 : i32
      %mul3A_83 = arith.constant 128 : i32
      %mul3A_84 = arith.muli %add3A_59, %mul3A_83 : i32
      %add3A_85 = arith.addi %mul3A_4, %mul3A_84 : i32
      %dma_start3A_86 = arith.constant 0 : i32
      %dma_start3A_87 = tpu.memref_slice %arg5[%add3A_85, %dma_start3A_86] : memref<819200x64xf32, #tpu.memory_space<hbm>> -> memref<128x64xf32, #tpu.memory_space<hbm>>
      %dma_start3A_88 = arith.constant 0 : i32
      %dma_start3A_89 = tpu.memref_slice %arg5[%add3A_85, %dma_start3A_88] : memref<819200x64xf32, #tpu.memory_space<hbm>> -> memref<128x64xf32, #tpu.memory_space<hbm>>
      tpu.enqueue_dma source(%arg9 : memref<128x64xf32, #tpu.memory_space<vmem>>) target(%dma_start3A_89 : memref<128x64xf32, #tpu.memory_space<hbm>>) target_semaphore(%arg13 : memref<!tpu.dma_semaphore, #tpu.memory_space<semaphore_mem>>)
    }
    %scan3A_15 = arith.constant 100 : i32
    %add3A_16 = arith.constant 25344 : i32
    %add3A_17 = arith.addi %mul3A_4, %add3A_16 : i32
    %dma_wait3A = arith.constant 0 : i32
    %dma_wait3A_18 = tpu.memref_slice %arg5[%add3A_17, %dma_wait3A] : memref<819200x64xf32, #tpu.memory_space<hbm>> -> memref<128x64xf32, #tpu.memory_space<hbm>>
    %dma_wait3A_19 = arith.constant 0 : i32
    %dma_wait3A_20 = tpu.memref_slice %arg5[%add3A_17, %dma_wait3A_19] : memref<819200x64xf32, #tpu.memory_space<hbm>> -> memref<128x64xf32, #tpu.memory_space<hbm>>
    tpu.wait_dma2 semaphore(%arg12 : memref<!tpu.dma_semaphore, #tpu.memory_space<semaphore_mem>>) src(%arg8 : memref<128x64xf32, #tpu.memory_space<vmem>>) dst(%dma_wait3A_20 : memref<128x64xf32, #tpu.memory_space<hbm>>)
    %add3A_21 = arith.constant 25472 : i32
    %add3A_22 = arith.addi %mul3A_4, %add3A_21 : i32
    %dma_wait3A_23 = arith.constant 0 : i32
    %dma_wait3A_24 = tpu.memref_slice %arg5[%add3A_22, %dma_wait3A_23] : memref<819200x64xf32, #tpu.memory_space<hbm>> -> memref<128x64xf32, #tpu.memory_space<hbm>>
    %dma_wait3A_25 = arith.constant 0 : i32
    %dma_wait3A_26 = tpu.memref_slice %arg5[%add3A_22, %dma_wait3A_25] : memref<819200x64xf32, #tpu.memory_space<hbm>> -> memref<128x64xf32, #tpu.memory_space<hbm>>
    tpu.wait_dma2 semaphore(%arg13 : memref<!tpu.dma_semaphore, #tpu.memory_space<semaphore_mem>>) src(%arg9 : memref<128x64xf32, #tpu.memory_space<vmem>>) dst(%dma_wait3A_26 : memref<128x64xf32, #tpu.memory_space<hbm>>)
    return
  }
}

</mosaic_0001>

<sc_bundles>
// kernel: kernel.3.cloned.1.call-start
scs
__scs_entry_jumppad:
0x0: {  	(pc) =	sbr.rel $0x88, $3  }
0x1: {  	(tag) =	ssettag $0x0;
	lr =	simm.s32 $0x1  }
0x2: {  	[smem:$0x3F9F] =	sst lr;
	_ =	strace $0xD0000000  }
0x3: {  	_ = 	snop  }
0x4: {  	_ = 	snop  }
0x5: {  	_ = 	snop  }
0x6: {  	_ = 	snop  }
0x7: {  	_ = 	snop  }
__scs_overlays_trampoline_lowered:
0x8: {  	[smem:$0x3FAE] =	sst s0  }
0x9: {  	[smem:$0x3FAF] =	sst s1  }
0xa: {  	[smem:$0x3FB0] =	sst s2  }
0xb: {  	[smem:$0x3FB1] =	sst s3  }
0xc: {  	[smem:$0x3FB2] =	sst s4  }
0xd: {  	[smem:$0x3FB3] =	sst s5  }
0xe: {  	[smem:$0x3FB4] =	sst s6  }
0xf: {  	[smem:$0x3FB5] =	sst s7  }
0x10: {  	[smem:$0x3FB6] =	sst s8  }
0x11: {  	[smem:$0x3FB7] =	sst s9;
	s0 =	simm.s32 @!p0 $0x0  }
0x12: {  	s1 =	sld [smem:$0x3F9D];
	s0 =	simm.s32 @p0 $0x1  }
0x13: {  	[smem:$0x3FB8] =	sst s0;
	s0 =	simm.s32 @!p1 $0x0  }
0x14: {  	s2 =	sld [smem:$0x3F9C];
	s0 =	simm.s32 @p1 $0x1  }
0x15: {  	[smem:$0x3FB9] =	sst s0;
	s0 =	simm.s32 @!p2 $0x0  }
0x16: {  	s3 =	sld [smem:$0x3FDB];
	s0 =	simm.s32 @p2 $0x1  }
0x17: {  	s4 =	simm.s32 $0x1BF5;
	[smem:$0x3FBB] =	sst s0  }
0x18: {  	s0 =	sld [smem:$0x3F9E];
	_ =	swait.ge [sflag:s4], $0x0  }
0x19: {  	s7 =	sld [smem:$0x3F9F]  }
0x1a: {  	s8 =	sadd.s32 $0xFFFFE003, lr  }
0x1b: {  	s9 =	sadd.s32 $0xFFFFFEF7, lr;
	s5 =	simm.s32 $0xFFFFFFFF;
	p2 =	slt.u32 s8, $0xFFFFF086  }
0x1c: {  	p1 =	slt.u32 s9, $0xF7A;
	s5 =	simm.s32 @!p2 $0x0  }
0x1d: {  	s5 =	simm.s32 @p1 $0x1;
	p0 =	seq.s32 s7, s2  }
0x1e: {  	s7 =	smul.u32 @!p0 $0xF7A, s2;
	p2 =	seq.s32 @!p0 s5, $0x0  }
0x1f: {  	s9 =	smul.u32 $0xF7A, s1;
	s8 =	simm.s32 @!p0 $0x1BF5;
	p2 =	por !p2, p0  }
0x20: {  	[sflag:s8] =	ssyncset.s32 @!p0 $0xFFFFF086;
	s6 =	sadd.s32 @!p0 s3, s7;
	s7 =	simm.s32 @!p0 $0x108  }
0x21: {  	s3 =	sadd.s32 s3, s9;
	s6 =	sadd.s32 @!p0 $0x88, s6;
	s7 =	simm.s32 @p2 $0x1082  }
0x22: {  	[simem:s7], [sflag:s8] =	dma.local @!p0 [hbm:s6], $0xF7A  }
0x23: {  	s9 =	sor.u32 $0xD0000000, s2;
	s6 =	simm.s32 $0x108;
	_ =	swait.ge @!p0 [sflag:s8], $0x0  }
0x24: {  	s3 =	sadd.s32 $0x88, s3;
	s6 =	simm.s32 @!p1 $0x1082;
	[sflag:s4] =	ssyncset.s32 $0xFFFFF086  }
0x25: {  	[simem:s6], [sflag:s4] =	dma.local [hbm:s3], $0xF7A  }
0x26: {  	[smem:$0x3F9F] =	sst s1;
	(tag) =	ssettag s2;
	_ =	strace s9  }
0x27: {  	s1 =	sld [smem:$0x3FAF]  }
0x28: {  	s2 =	sld [smem:$0x3FB0]  }
0x29: {  	s4 =	sld [smem:$0x3FB2]  }
0x2a: {  	p0 =	seq.s32 s5, $0x0;
	s5 =	sld [smem:$0x3FB3]  }
0x2b: {  	s6 =	sld [smem:$0x3FB4]  }
0x2c: {  	s7 =	sld [smem:$0x3FB5]  }
0x2d: {  	s3 =	simm.s32 $0x108;
	s8 =	sld [smem:$0x3FB6]  }
0x2e: {  	s3 =	simm.s32 @!p0 $0x1082;
	s9 =	sld [smem:$0x3FB7]  }
0x2f: {  	lr =	sadd.s32 s0, s3;
	s0 =	sld [smem:$0x3FAE]  }
0x30: {  	s3 =	sld [smem:$0x3FB1]  }
0x31: {  	[smem:$0x3FBA] =	sst s10  }
0x32: {  	s10 =	sld [smem:$0x3FB8];
	_ =	sdelay $0x3  }
0x33: {  	p0 =	seq.s32 s10, $0x1;
	s10 =	sld [smem:$0x3FBA];
	_ =	sdelay $0x3  }
0x34: {  	[smem:$0x3FBA] =	sst s10  }
0x35: {  	s10 =	sld [smem:$0x3FB9];
	_ =	sdelay $0x3  }
0x36: {  	p1 =	seq.s32 s10, $0x1;
	s10 =	sld [smem:$0x3FBA];
	_ =	sdelay $0x3  }
0x37: {  	[smem:$0x3FBA] =	sst s10  }
0x38: {  	s10 =	sld [smem:$0x3FBB]  }
0x39: {  	_ = 	snop;
	(pc) =	sbr.ind lr, $3  }
0x3a: {  	_ = 	snop  }
0x3b: {  	_ = 	snop  }
0x3c: {  	p2 =	seq.s32 s10, $0x1;
	s10 =	sld [smem:$0x3FBA]  }
0x3d: {  	_ =	shalt  }
0x3e: {  	_ =	shalt  }
0x3f: {  	_ =	shalt  }
0x40: {  	_ =	shalt  }
0x41: {  	_ =	shalt  }
0x42: {  	_ =	shalt  }
0x43: {  	_ =	shalt  }
0x44: {  	_ =	shalt  }
0x45: {  	_ =	shalt  }
0x46: {  	_ =	shalt  }
0x47: {  	_ =	shalt  }
0x48: {  	_ =	shalt  }
0x49: {  	_ =	shalt  }
0x4a: {  	_ =	shalt  }
0x4b: {  	_ =	shalt  }
0x4c: {  	_ =	shalt  }
0x4d: {  	_ =	shalt  }
0x4e: {  	_ =	shalt  }
0x4f: {  	_ =	shalt  }
0x50: {  	_ =	shalt  }
0x51: {  	_ =	shalt  }
0x52: {  	_ =	shalt  }
0x53: {  	_ =	shalt  }
0x54: {  	_ =	shalt  }
0x55: {  	_ =	shalt  }
0x56: {  	_ =	shalt  }
0x57: {  	_ =	shalt  }
0x58: {  	_ =	shalt  }
0x59: {  	_ =	shalt  }
0x5a: {  	_ =	shalt  }
0x5b: {  	_ =	shalt  }
0x5c: {  	_ =	shalt  }
0x5d: {  	_ =	shalt  }
0x5e: {  	_ =	shalt  }
0x5f: {  	_ =	shalt  }
0x60: {  	_ =	shalt  }
0x61: {  	_ =	shalt  }
0x62: {  	_ =	shalt  }
0x63: {  	_ =	shalt  }
0x64: {  	_ =	shalt  }
0x65: {  	_ =	shalt  }
0x66: {  	_ =	shalt  }
0x67: {  	_ =	shalt  }
0x68: {  	_ =	shalt  }
0x69: {  	_ =	shalt  }
0x6a: {  	_ =	shalt  }
0x6b: {  	_ =	shalt  }
0x6c: {  	_ =	shalt  }
0x6d: {  	_ =	shalt  }
0x6e: {  	_ =	shalt  }
0x6f: {  	_ =	shalt  }
0x70: {  	_ =	shalt  }
0x71: {  	_ =	shalt  }
0x72: {  	_ =	shalt  }
0x73: {  	_ =	shalt  }
0x74: {  	_ =	shalt  }
0x75: {  	_ =	shalt  }
0x76: {  	_ =	shalt  }
0x77: {  	_ =	shalt  }
0x78: {  	_ =	shalt  }
0x79: {  	_ =	shalt  }
0x7a: {  	_ =	shalt  }
0x7b: {  	_ =	shalt  }
0x7c: {  	_ =	shalt  }
0x7d: {  	_ =	shalt  }
0x7e: {  	_ =	shalt  }
0x7f: {  	_ =	shalt  }
0x80: {  	_ =	shalt  }
0x81: {  	_ =	shalt  }
0x82: {  	_ =	shalt  }
0x83: {  	_ =	shalt  }
0x84: {  	_ =	shalt  }
0x85: {  	_ =	shalt  }
0x86: {  	_ =	shalt  }
0x87: {  	_ =	shalt  }
.Lfunc_end0:
.L_simem_size_0:
called_computation.1_lowered:
.L_overlay_start_0:
0x88: {  	s2 =	sld [smem:$0x3FD9]  }
0x89: {  	s3 =	sld [smem:$0x3FFE];
	_ =	sdelay $0x1  }
0x8a: {  	s1 =	srdreg.scid  }
0x8b: {  	s0 =	sand.u32 $0x1, s1  }
0x8c: {  	s17 =	sshll.u32 s0, $0xA;
	s2 =	sadd.s32 s3, s2  }
0x8d: {  	s2 =	sadd.s32 s2, s17  }
0x8e: {  	[smem:$0x3FC6] =	sst s2  }
0x8f: {  	_ = 	snop  }
0x90: {  	s2 =	sld [smem:$0x3FD0];
	(tm) =	ssettm $0x1  }
0x91: {  	s18 =	sld [smem:$0x3FFB];
	_ =	sdelay $0x3  }
0x92: {  	_ =	strace s18  }
0x93: {  	s3 =	sld [smem:$0x3FFC];
	_ =	sdelay $0x3  }
0x94: {  	_ =	strace s3  }
0x95: {  	s3 =	sld [smem:$0x3FFD];
	_ =	sdelay $0x3  }
0x96: {  	_ =	strace s3  }
0x97: {  	_ =	strace $0x8FFFFFFF  }
0x98: {  	s19 =	sld [smem:$0x3FDB];
	_ =	sdelay $0x1  }
0x99: {  	s4 =	simm.s32 $_scs_section_size  }
0x9a: {  	s5 =	simm.s32 $_size__tile_overlayer_lowered;
	s6 =	simm.s32 $_tile_overlayer_lowered  }
0x9b: {  	s22 =	simm.s32 $0x1BFF;
	s21 =	sshll.u32 s6, $0x1;
	s3 =	sadd.s32 s4, s19  }
0x9c: {  	s7 =	simm.s32 $0x0;
	s20 =	sshll.u32 s5, $0x1;
	s5 =	sadd.s32 s21, s3  }
0x9d: {  	[timem:s7], [sflag:s22] =	dma.local [hbm:s5], s20  }
0x9e: {  	_ =	swait.ge [sflag:s22], s20  }
0x9f: {  	s4 =	ssub.s32 $0x0, s20;
	[sflag:s22] =	ssyncset.done $0x0  }
0xa0: {  	[sflag:s22] =	ssyncadd.s32 s4;
	_ =	sdelay $0x1  }
0xa1: {  	s23 =	simm.s32 $0x1B8B  }
0xa2: {  	_ =	swait.ge [sflag:s23], $0x1  }
0xa3: {  	[sflag:s23] =	ssyncset.done $0x0  }
0xa4: {  	s25 =	simm.s32 $0x1B8E;
	s24 =	sld [smem:$0x3FFE];
	[sflag:s23] =	ssyncadd.s32 $0xFFFFFFFF  }
0xa5: {  	s26 =	simm.s32 $execute0_lowered;
	[smem:$0x3FD2] =	sst s25  }
0xa6: {  	s5 =	sshll.u32 s26, $0x1;
	_ =	strace $0x80000046;
	[dreg:$0x1] =	wrdreg $0xFFFFFFFF  }
0xa7: {  	s28 =	simm.s32 $_size_execute0_lowered;
	s3 =	sadd.s32 s3, s5;
	[dreg:$0x0] =	wrdreg $0x0  }
0xa8: {  	s5 =	sshll.u32 s28, $0x1;
	[dreg:$0x2] =	wrdreg s3  }
0xa9: {  	[dreg:$0x3] =	wrdreg s5  }
0xaa: {  	[dreg:$0x4] =	wrdreg $0xC0  }
0xab: {  	_ =	task [dreg:s7], $0x5FFFF  }
0xac: {  	[dreg:$0x1] =	wrdreg $0xFFFFFFFF  }
0xad: {  	[dreg:$0x0] =	wrdreg $0x60  }
0xae: {  	[dreg:$0x2] =	wrdreg s24  }
0xaf: {  	[dreg:$0x3] =	wrdreg s2  }
0xb0: {  	[dreg:$0x4] =	wrdreg $0x9  }
0xb1: {  	_ =	task.clear_ibuf [dreg:s7], $0x5FFFF;
	_ =	strace $0x90000046  }
0xb2: {  	s29 =	simm.s32 $0x9;
	_ =	strace $0x80000048  }
0xb3: {  	_ =	swait.ge [sflag:s29], $0x1  }
0xb4: {  	[sflag:s29] =	ssyncadd.s32 $0xFFFFFFFF  }
0xb5: {  	_ =	strace $0x90000048  }
0xb6: {  	_ =	sfence  }
0xb7: {  	s30 =	sld [smem:$0x0];
	_ =	sdelay $0x2  }
0xb8: {  	s31 =	sshll.u32 s1, $0xD;
	s1 =	sshrl.u32 s1, $0x2  }
0xb9: {  	s3 =	sand.u32 $0x4000, s31;
	s1 =	sadd.s32 s1, s30  }
0xba: {  	s0 =	sor.u32 s3, s0;
	s1 =	sshll.u32 s1, $0x11  }
0xbb: {  	s0 =	sor.u32 s1, s0  }
0xbc: {  	s0 =	sadd.s32 $0x8F2B, s0  }
0xbd: {  	[sflag:s0] =	ssyncadd.remote.s32 $0x1  }
0xbe: {  	_ =	sfence.sel $0xFFFF  }
0xbf: {  	[dreg:$0x0] =	wrdreg $0xFFFFFFFF;
	(pc) =	sbr.abs _section_cstart, $3  }
0xc0: {  	[dreg:$0x1] =	wrdreg $0xFFFFFFFF  }
0xc1: {  	_ =	task.clear_ibuf [dreg:s7], $0x2FFFF;
	_ =	strace $0x9FFFFFFF  }
0xc2: {  	(tm) =	ssettm $0x7FFFFFFF  }
0xc3: {  	_ =	shalt  }
tec
execute0_lowered:
.L_overlay_start_1:
0x0: {  	(tag) =	ssettag $0x1  }
0x1: {  	s5 =	rddreg [dreg:$0x0];
	s1 =	srdreg.scid  }
0x2: {  	s0 =	stileid.u32;
	s2 =	rddreg [dreg:$0x1]  }
0x3: {  	s3 =	simm.s32 $0x0;
	s10 =	simm.s32 $0x6400;
	s11 =	simm.s32 $0xB600  }
0x4: {  	s12 =	simm.s32 $0x80;
	s13 =	simm.s32 $0xD600;
	s14 =	simm.s32 $0x1  }
0x5: {  	s15 =	simm.s32 $0x2;
	s16 =	simm.s32 $0x3;
	s17 =	simm.s32 $0x4  }
0x6: {  	s4 =	sand.u32 $0x1, s1;
	s6 =	sshll.u32 s0, $0x1;
	s1 =	rddreg [dreg:$0x2]  }
0x7: {  	s18 =	simm.s32 $0x0;
	[smem:$0x7FF] =	sst s3;
	s6 =	sor.u32 s4, s6  }
0x8: {  	_ =	strace $0x80000047;
	s8 =	ssub.s32 $0x2, s4;
	s7 =	smul.u32 $0xC80, s6  }
0x9: {  	s4 =	sadd.s32 $0xF43400, s5;
	s9 =	sshrl.u32 s8, $0x1;
	s6 =	smul.u32 $0x6400, s6  }
0xa: {  	s8 =	ssub.s32 s8, s9;
	s9 =	simm.s32 $0x5;
	s7 =	sadd.s32 s7, s5  }
0xb: {  	s5 =	sadd.s32 $0x400, s5;
	s8 =	smax.u32 s8, $0x1;
	s7 =	sadd.s32 $0x1000, s7  }
.LBB2_1:
0xc: {  	[tilespmem:s3], [sflag:$0x5] =	stream.linear.gather [hbm4b:s7+s3], $0x6400, $0x38;
	[tilespmem:$0xF600] =	vst v63  }
0xd: {  	_ =	swait.ge [sflag:s9], $0x6400  }
0xe: {  	[sflag:s9] =	ssyncset.done $0x0  }
0xf: {  	[sflag:s9] =	ssyncadd.s32 $0xFFFF9C00  }
0x10: {  	[tilespmem:s10], [sflag:$0x5] =	stream.linear.gather [hbm4b:s5+s3], $0x5200, $0x38;
	[tilespmem:$0xF600] =	vst v63  }
0x11: {  	s19 =	simm.s32 $0x6500;
	_ =	swait.ge [sflag:s9], $0x5200  }
0x12: {  	s20 =	simm.s32 $0x8400;
	s21 =	simm.s32 $0x80;
	[sflag:s9] =	ssyncset.done $0x0  }
0x13: {  	s22 =	simm.s32 $0x0;
	s23 =	simm.s32 $0x0;
	[sflag:s9] =	ssyncadd.s32 $0xFFFFAE00  }
0x14: {  	[tilespmem:s11], [sflag:$0x1] =	stream.indirect.gather [hbm4b:s4+s12], $0x40, s3, s12, $0xb8;
	[tilespmem:$0xF600] =	vst v63  }
.LBB2_2:
0x15: {  	s24 =	smulhi.u32 $0x51EB851F, s22;
	_ =	sdelay $0x1  }
0x16: {  	s24 =	sshrl.u32 s24, $0x6  }
0x17: {  	p0 =	seq.s32 s23, $0x0;
	s24 =	smul.u32 $0xFFFF3800, s24  }
0x18: {  	s25 =	simm.s32 @!p0 $0x4  }
0x19: {  	s26 =	sshllo.u32 s23, $0x1;
	_ =	swait.ge @!p0 [sflag:s25], $0x2000;
	s24 =	sshra.s32 s24, $0x2  }
0x1a: {  	[sflag:s25] =	ssyncset.done @!p0 $0x0;
	s28 =	sadd.s32 s24, s19;
	s24 =	sshll.u32 s26, $0x7  }
0x1b: {  	[sflag:s25] =	ssyncadd.s32 @!p0 $0xFFFFE000;
	s26 =	sand.u32 $0x3FFFFF80, s24;
	v0 =	vmov s28  }
0x1c: {  	[tilespmem:s13], [sflag:$0x2] =	stream.indirect.gather [hbm4b:s4+s12], $0x40, s26, s12, $0xb8;
	[tilespmem:$0xF600] =	vst v63  }
0x1d: {  	_ =	swait.ge [sflag:s14], $0x2000  }
0x1e: {  	[sflag:s14] =	ssyncset.done $0x0  }
0x1f: {  	s25 =	simm.s32 $0x0;
	[sflag:s14] =	ssyncadd.s32 $0xFFFFE000  }
0x20: {  	v1 =	vld.idx.msk [tilespmem:v0+s25+$0xFFFFFF00 ss:$0x1], $0xffff;
	_ =	sdelay $0x4  }
0x21: {  	[tilespmem:s25+$0xB600] =	vst.add.f32.msk $0xffff, v1  }
0x22: {  	v1 =	vld.idx.msk [tilespmem:v0+s25+$0xFFFFFF10 ss:$0x1], $0xffff;
	_ =	sdelay $0x4  }
0x23: {  	[tilespmem:s25+$0xB610] =	vst.add.f32.msk $0xffff, v1  }
0x24: {  	v1 =	vld.idx.msk [tilespmem:v0+s25+$0xFFFFFF20 ss:$0x1], $0xffff;
	_ =	sdelay $0x4  }
0x25: {  	[tilespmem:s25+$0xB620] =	vst.add.f32.msk $0xffff, v1  }
0x26: {  	v1 =	vld.idx.msk [tilespmem:v0+s25+$0xFFFFFF30 ss:$0x1], $0xffff;
	_ =	sdelay $0x4  }
0x27: {  	[tilespmem:s25+$0xB630] =	vst.add.f32.msk $0xffff, v1  }
0x28: {  	v1 =	vld.idx.msk [tilespmem:v0+s25+$0xFFFFFF40 ss:$0x1], $0xffff;
	_ =	sdelay $0x4  }
0x29: {  	[tilespmem:s25+$0xB640] =	vst.add.f32.msk $0xffff, v1  }
0x2a: {  	v1 =	vld.idx.msk [tilespmem:v0+s25+$0xFFFFFF50 ss:$0x1], $0xffff;
	_ =	sdelay $0x4  }
0x2b: {  	[tilespmem:s25+$0xB650] =	vst.add.f32.msk $0xffff, v1  }
0x2c: {  	v1 =	vld.idx.msk [tilespmem:v0+s25+$0xFFFFFF60 ss:$0x1], $0xffff;
	_ =	sdelay $0x4  }
0x2d: {  	[tilespmem:s25+$0xB660] =	vst.add.f32.msk $0xffff, v1  }
0x2e: {  	v1 =	vld.idx.msk [tilespmem:v0+s25+$0xFFFFFF70 ss:$0x1], $0xffff;
	_ =	sdelay $0x4  }
0x2f: {  	[tilespmem:s25+$0xB670] =	vst.add.f32.msk $0xffff, v1  }
0x30: {  	v1 =	vld.idx.msk [tilespmem:v0+s25+$0xFFFFFF80 ss:$0x1], $0xffff;
	_ =	sdelay $0x4  }
0x31: {  	[tilespmem:s25+$0xB680] =	vst.add.f32.msk $0xffff, v1  }
0x32: {  	v1 =	vld.idx.msk [tilespmem:v0+s25+$0xFFFFFF90 ss:$0x1], $0xffff;
	_ =	sdelay $0x4  }
0x33: {  	[tilespmem:s25+$0xB690] =	vst.add.f32.msk $0xffff, v1  }
0x34: {  	v1 =	vld.idx.msk [tilespmem:v0+s25+$0xFFFFFFA0 ss:$0x1], $0xffff;
	_ =	sdelay $0x4  }
0x35: {  	[tilespmem:s25+$0xB6A0] =	vst.add.f32.msk $0xffff, v1  }
0x36: {  	v1 =	vld.idx.msk [tilespmem:v0+s25+$0xFFFFFFB0 ss:$0x1], $0xffff;
	_ =	sdelay $0x4  }
0x37: {  	[tilespmem:s25+$0xB6B0] =	vst.add.f32.msk $0xffff, v1  }
0x38: {  	v1 =	vld.idx.msk [tilespmem:v0+s25+$0xFFFFFFC0 ss:$0x1], $0xffff;
	_ =	sdelay $0x4  }
0x39: {  	[tilespmem:s25+$0xB6C0] =	vst.add.f32.msk $0xffff, v1  }
0x3a: {  	v1 =	vld.idx.msk [tilespmem:v0+s25+$0xFFFFFFD0 ss:$0x1], $0xffff;
	_ =	sdelay $0x4  }
0x3b: {  	[tilespmem:s25+$0xB6D0] =	vst.add.f32.msk $0xffff, v1  }
0x3c: {  	v1 =	vld.idx.msk [tilespmem:v0+s25+$0xFFFFFFE0 ss:$0x1], $0xffff;
	_ =	sdelay $0x4  }
0x3d: {  	[tilespmem:s25+$0xB6E0] =	vst.add.f32.msk $0xffff, v1  }
0x3e: {  	v1 =	vld.idx.msk [tilespmem:v0+s25+$0xFFFFFFF0 ss:$0x1], $0xffff;
	_ =	sdelay $0x4  }
0x3f: {  	[tilespmem:s25+$0xB6F0] =	vst.add.f32.msk $0xffff, v1  }
0x40: {  	v1 =	vld.idx.msk [tilespmem:v0+s25+$0x0 ss:$0x1], $0xffff;
	_ =	sdelay $0x4  }
0x41: {  	[tilespmem:s25+$0xB700] =	vst.add.f32.msk $0xffff, v1  }
0x42: {  	v1 =	vld.idx.msk [tilespmem:v0+s25+$0x10 ss:$0x1], $0xffff;
	_ =	sdelay $0x4  }
0x43: {  	[tilespmem:s25+$0xB710] =	vst.add.f32.msk $0xffff, v1  }
0x44: {  	v1 =	vld.idx.msk [tilespmem:v0+s25+$0x20 ss:$0x1], $0xffff;
	_ =	sdelay $0x4  }
0x45: {  	[tilespmem:s25+$0xB720] =	vst.add.f32.msk $0xffff, v1  }
0x46: {  	v1 =	vld.idx.msk [tilespmem:v0+s25+$0x30 ss:$0x1], $0xffff;
	_ =	sdelay $0x4  }
0x47: {  	[tilespmem:s25+$0xB730] =	vst.add.f32.msk $0xffff, v1  }
0x48: {  	v1 =	vld.idx.msk [tilespmem:v0+s25+$0x40 ss:$0x1], $0xffff;
	_ =	sdelay $0x4  }
0x49: {  	[tilespmem:s25+$0xB740] =	vst.add.f32.msk $0xffff, v1  }
0x4a: {  	v1 =	vld.idx.msk [tilespmem:v0+s25+$0x50 ss:$0x1], $0xffff;
	_ =	sdelay $0x4  }
0x4b: {  	[tilespmem:s25+$0xB750] =	vst.add.f32.msk $0xffff, v1  }
0x4c: {  	v1 =	vld.idx.msk [tilespmem:v0+s25+$0x60 ss:$0x1], $0xffff;
	_ =	sdelay $0x4  }
0x4d: {  	[tilespmem:s25+$0xB760] =	vst.add.f32.msk $0xffff, v1  }
0x4e: {  	v1 =	vld.idx.msk [tilespmem:v0+s25+$0x70 ss:$0x1], $0xffff;
	_ =	sdelay $0x4  }
0x4f: {  	[tilespmem:s25+$0xB770] =	vst.add.f32.msk $0xffff, v1  }
0x50: {  	v1 =	vld.idx.msk [tilespmem:v0+s25+$0x80 ss:$0x1], $0xffff;
	_ =	sdelay $0x4  }
0x51: {  	[tilespmem:s25+$0xB780] =	vst.add.f32.msk $0xffff, v1  }
0x52: {  	v1 =	vld.idx.msk [tilespmem:v0+s25+$0x90 ss:$0x1], $0xffff;
	_ =	sdelay $0x4  }
0x53: {  	[tilespmem:s25+$0xB790] =	vst.add.f32.msk $0xffff, v1  }
0x54: {  	v1 =	vld.idx.msk [tilespmem:v0+s25+$0xA0 ss:$0x1], $0xffff;
	_ =	sdelay $0x4  }
0x55: {  	[tilespmem:s25+$0xB7A0] =	vst.add.f32.msk $0xffff, v1  }
0x56: {  	v1 =	vld.idx.msk [tilespmem:v0+s25+$0xB0 ss:$0x1], $0xffff;
	_ =	sdelay $0x4  }
0x57: {  	[tilespmem:s25+$0xB7B0] =	vst.add.f32.msk $0xffff, v1  }
0x58: {  	v1 =	vld.idx.msk [tilespmem:v0+s25+$0xC0 ss:$0x1], $0xffff;
	_ =	sdelay $0x4  }
0x59: {  	[tilespmem:s25+$0xB7C0] =	vst.add.f32.msk $0xffff, v1  }
0x5a: {  	v1 =	vld.idx.msk [tilespmem:v0+s25+$0xD0 ss:$0x1], $0xffff;
	_ =	sdelay $0x4  }
0x5b: {  	[tilespmem:s25+$0xB7D0] =	vst.add.f32.msk $0xffff, v1  }
0x5c: {  	v1 =	vld.idx.msk [tilespmem:v0+s25+$0xE0 ss:$0x1], $0xffff;
	_ =	sdelay $0x3  }
0x5d: {  	s31 =	smulhi.u32 $0x51EB851F, s21  }
0x5e: {  	[tilespmem:s25+$0xB7E0] =	vst.add.f32.msk $0xffff, v1  }
0x5f: {  	s26 =	sshrl.u32 s31, $0x6;
	v1 =	vld.idx.msk [tilespmem:v0+s25+$0xF0 ss:$0x1], $0xffff  }
0x60: {  	s26 =	smul.u32 $0xFFFF3800, s26;
	_ =	sdelay $0x1  }
0x61: {  	s29 =	simm.s32 $0x0;
	s26 =	sshra.s32 s26, $0x2  }
0x62: {  	s30 =	simm.s32 $0x800;
	s28 =	sshll.u32 s23, $0x8;
	s26 =	sadd.s32 s26, s20  }
.LBB2_3:
0x63: {  	s29 =	sadd.s32 $0x8, s29;
	[tilespmem:s25+$0xB7F0] =	vst.add.f32.msk $0xffff, v1;
	s25 =	sshra.s32 s30, $0x2  }
0x64: {  	v1 =	vld.idx.msk [tilespmem:v0+s25+$0xFFFFFF00 ss:$0x1], $0xffff;
	p0 =	slt.u32 s29, $0x78;
	_ =	sdelay $0x5  }
0x65: {  	[tilespmem:s25+$0xB600] =	vst.add.f32.msk $0xffff, v1  }
0x66: {  	v1 =	vld.idx.msk [tilespmem:v0+s25+$0xFFFFFF10 ss:$0x1], $0xffff;
	_ =	sdelay $0x5  }
0x67: {  	[tilespmem:s25+$0xB610] =	vst.add.f32.msk $0xffff, v1  }
0x68: {  	v1 =	vld.idx.msk [tilespmem:v0+s25+$0xFFFFFF20 ss:$0x1], $0xffff;
	_ =	sdelay $0x5  }
0x69: {  	[tilespmem:s25+$0xB620] =	vst.add.f32.msk $0xffff, v1  }
0x6a: {  	v1 =	vld.idx.msk [tilespmem:v0+s25+$0xFFFFFF30 ss:$0x1], $0xffff;
	_ =	sdelay $0x5  }
0x6b: {  	[tilespmem:s25+$0xB630] =	vst.add.f32.msk $0xffff, v1  }
0x6c: {  	v1 =	vld.idx.msk [tilespmem:v0+s25+$0xFFFFFF40 ss:$0x1], $0xffff;
	_ =	sdelay $0x5  }
0x6d: {  	[tilespmem:s25+$0xB640] =	vst.add.f32.msk $0xffff, v1  }
0x6e: {  	v1 =	vld.idx.msk [tilespmem:v0+s25+$0xFFFFFF50 ss:$0x1], $0xffff;
	_ =	sdelay $0x5  }
0x6f: {  	[tilespmem:s25+$0xB650] =	vst.add.f32.msk $0xffff, v1  }
0x70: {  	v1 =	vld.idx.msk [tilespmem:v0+s25+$0xFFFFFF60 ss:$0x1], $0xffff;
	_ =	sdelay $0x5  }
0x71: {  	[tilespmem:s25+$0xB660] =	vst.add.f32.msk $0xffff, v1  }
0x72: {  	v1 =	vld.idx.msk [tilespmem:v0+s25+$0xFFFFFF70 ss:$0x1], $0xffff;
	_ =	sdelay $0x5  }
0x73: {  	[tilespmem:s25+$0xB670] =	vst.add.f32.msk $0xffff, v1  }
0x74: {  	v1 =	vld.idx.msk [tilespmem:v0+s25+$0xFFFFFF80 ss:$0x1], $0xffff;
	_ =	sdelay $0x5  }
0x75: {  	[tilespmem:s25+$0xB680] =	vst.add.f32.msk $0xffff, v1  }
0x76: {  	v1 =	vld.idx.msk [tilespmem:v0+s25+$0xFFFFFF90 ss:$0x1], $0xffff;
	_ =	sdelay $0x5  }
0x77: {  	[tilespmem:s25+$0xB690] =	vst.add.f32.msk $0xffff, v1  }
0x78: {  	v1 =	vld.idx.msk [tilespmem:v0+s25+$0xFFFFFFA0 ss:$0x1], $0xffff;
	_ =	sdelay $0x5  }
0x79: {  	[tilespmem:s25+$0xB6A0] =	vst.add.f32.msk $0xffff, v1  }
0x7a: {  	v1 =	vld.idx.msk [tilespmem:v0+s25+$0xFFFFFFB0 ss:$0x1], $0xffff;
	_ =	sdelay $0x5  }
0x7b: {  	[tilespmem:s25+$0xB6B0] =	vst.add.f32.msk $0xffff, v1  }
0x7c: {  	v1 =	vld.idx.msk [tilespmem:v0+s25+$0xFFFFFFC0 ss:$0x1], $0xffff;
	_ =	sdelay $0x5  }
0x7d: {  	[tilespmem:s25+$0xB6C0] =	vst.add.f32.msk $0xffff, v1  }
0x7e: {  	v1 =	vld.idx.msk [tilespmem:v0+s25+$0xFFFFFFD0 ss:$0x1], $0xffff;
	_ =	sdelay $0x5  }
0x7f: {  	[tilespmem:s25+$0xB6D0] =	vst.add.f32.msk $0xffff, v1  }
0x80: {  	v1 =	vld.idx.msk [tilespmem:v0+s25+$0xFFFFFFE0 ss:$0x1], $0xffff;
	_ =	sdelay $0x5  }
0x81: {  	[tilespmem:s25+$0xB6E0] =	vst.add.f32.msk $0xffff, v1  }
0x82: {  	v1 =	vld.idx.msk [tilespmem:v0+s25+$0xFFFFFFF0 ss:$0x1], $0xffff;
	_ =	sdelay $0x5  }
0x83: {  	[tilespmem:s25+$0xB6F0] =	vst.add.f32.msk $0xffff, v1  }
0x84: {  	v1 =	vld.idx.msk [tilespmem:v0+s25+$0x0 ss:$0x1], $0xffff;
	_ =	sdelay $0x5  }
0x85: {  	[tilespmem:s25+$0xB700] =	vst.add.f32.msk $0xffff, v1  }
0x86: {  	v1 =	vld.idx.msk [tilespmem:v0+s25+$0x10 ss:$0x1], $0xffff;
	_ =	sdelay $0x5  }
0x87: {  	[tilespmem:s25+$0xB710] =	vst.add.f32.msk $0xffff, v1  }
0x88: {  	v1 =	vld.idx.msk [tilespmem:v0+s25+$0x20 ss:$0x1], $0xffff;
	_ =	sdelay $0x5  }
0x89: {  	[tilespmem:s25+$0xB720] =	vst.add.f32.msk $0xffff, v1  }
0x8a: {  	v1 =	vld.idx.msk [tilespmem:v0+s25+$0x30 ss:$0x1], $0xffff;
	_ =	sdelay $0x5  }
0x8b: {  	[tilespmem:s25+$0xB730] =	vst.add.f32.msk $0xffff, v1  }
0x8c: {  	v1 =	vld.idx.msk [tilespmem:v0+s25+$0x40 ss:$0x1], $0xffff;
	_ =	sdelay $0x5  }
0x8d: {  	[tilespmem:s25+$0xB740] =	vst.add.f32.msk $0xffff, v1  }
0x8e: {  	v1 =	vld.idx.msk [tilespmem:v0+s25+$0x50 ss:$0x1], $0xffff;
	_ =	sdelay $0x5  }
0x8f: {  	[tilespmem:s25+$0xB750] =	vst.add.f32.msk $0xffff, v1  }
0x90: {  	v1 =	vld.idx.msk [tilespmem:v0+s25+$0x60 ss:$0x1], $0xffff;
	_ =	sdelay $0x5  }
0x91: {  	[tilespmem:s25+$0xB760] =	vst.add.f32.msk $0xffff, v1  }
0x92: {  	v1 =	vld.idx.msk [tilespmem:v0+s25+$0x70 ss:$0x1], $0xffff;
	_ =	sdelay $0x5  }
0x93: {  	[tilespmem:s25+$0xB770] =	vst.add.f32.msk $0xffff, v1  }
0x94: {  	v1 =	vld.idx.msk [tilespmem:v0+s25+$0x80 ss:$0x1], $0xffff;
	_ =	sdelay $0x5  }
0x95: {  	[tilespmem:s25+$0xB780] =	vst.add.f32.msk $0xffff, v1  }
0x96: {  	v1 =	vld.idx.msk [tilespmem:v0+s25+$0x90 ss:$0x1], $0xffff;
	_ =	sdelay $0x5  }
0x97: {  	[tilespmem:s25+$0xB790] =	vst.add.f32.msk $0xffff, v1  }
0x98: {  	v1 =	vld.idx.msk [tilespmem:v0+s25+$0xA0 ss:$0x1], $0xffff;
	_ =	sdelay $0x5  }
0x99: {  	[tilespmem:s25+$0xB7A0] =	vst.add.f32.msk $0xffff, v1  }
0x9a: {  	v1 =	vld.idx.msk [tilespmem:v0+s25+$0xB0 ss:$0x1], $0xffff;
	_ =	sdelay $0x5  }
0x9b: {  	[tilespmem:s25+$0xB7B0] =	vst.add.f32.msk $0xffff, v1  }
0x9c: {  	v1 =	vld.idx.msk [tilespmem:v0+s25+$0xC0 ss:$0x1], $0xffff;
	_ =	sdelay $0x5  }
0x9d: {  	[tilespmem:s25+$0xB7C0] =	vst.add.f32.msk $0xffff, v1  }
0x9e: {  	v1 =	vld.idx.msk [tilespmem:v0+s25+$0xD0 ss:$0x1], $0xffff;
	_ =	sdelay $0x5  }
0x9f: {  	[tilespmem:s25+$0xB7D0] =	vst.add.f32.msk $0xffff, v1  }
0xa0: {  	v1 =	vld.idx.msk [tilespmem:v0+s25+$0xE0 ss:$0x1], $0xffff;
	_ =	sdelay $0x5  }
0xa1: {  	[tilespmem:s25+$0xB7E0] =	vst.add.f32.msk $0xffff, v1  }
0xa2: {  	v1 =	vld.idx.msk [tilespmem:v0+s25+$0xF0 ss:$0x1], $0xffff  }
.Ltmp0:
0xa3: {  	(pc) =	sbr.rel @p0 .LBB2_3-.Ltmp0, $2  }
0xa4: {  	_ =	sdelay $0x2  }
0xa5: {  	s30 =	sadd.s32 $0x800, s30  }
0xa6: {  	s28 =	sadd.s32 s6, s28  }
0xa7: {  	p0 =	seq.s32 s23, $0x63;
	s28 =	sshll.u32 s28, $0x3  }
0xa8: {  	[tilespmem:s25+$0xB7F0] =	vst.add.f32.msk $0xffff, v1;
	s25 =	simm.s32 @!p0 $0x3;
	s31 =	sadd.s32 s2, s28  }
0xa9: {  	[hbm4b:s31+s3] =	stream.linear.scatter [tilespmem:s11], [sflag:$0x3], $0x2000, $0x38;
	[tilespmem:$0xF600] =	vst v63  }
0xaa: {  	_ =	swait.ge @!p0 [sflag:s25], $0x2000  }
0xab: {  	s28 =	sshll.u32 @!p0 s23, $0x8;
	[sflag:s25] =	ssyncset.done @!p0 $0x0  }
0xac: {  	[sflag:s25] =	ssyncadd.s32 @!p0 $0xFFFFE000;
	s25 =	sand.u32 @!p0 $0x3FFFFF00, s28  }
0xad: {  	v0 =	vmov s26;
	s29 =	simm.s32 @!p0 $0xB600;
	s28 =	simm.s32 @!p0 $0x80;
	s25 =	sadd.s32 @!p0 $0x100, s25  }
0xae: {  	[tilespmem:s29], [sflag:$0x1] =	stream.indirect.gather @!p0 [hbm4b:s4+s28], $0x40, s25, s28, $0xb8;
	[tilespmem:$0xF600] =	vst v63  }
0xaf: {  	_ =	swait.ge [sflag:s15], $0x2000  }
0xb0: {  	[sflag:s15] =	ssyncset.done $0x0  }
0xb1: {  	s25 =	simm.s32 $0x0;
	[sflag:s15] =	ssyncadd.s32 $0xFFFFE000  }
0xb2: {  	v1 =	vld.idx.msk [tilespmem:v0+s25+$0x0 ss:$0x1], $0xffff;
	_ =	sdelay $0x4  }
0xb3: {  	[tilespmem:s25+$0xD600] =	vst.add.f32.msk $0xffff, v1  }
0xb4: {  	v1 =	vld.idx.msk [tilespmem:v0+s25+$0x10 ss:$0x1], $0xffff;
	_ =	sdelay $0x4  }
0xb5: {  	[tilespmem:s25+$0xD610] =	vst.add.f32.msk $0xffff, v1  }
0xb6: {  	v1 =	vld.idx.msk [tilespmem:v0+s25+$0x20 ss:$0x1], $0xffff;
	_ =	sdelay $0x4  }
0xb7: {  	[tilespmem:s25+$0xD620] =	vst.add.f32.msk $0xffff, v1  }
0xb8: {  	v1 =	vld.idx.msk [tilespmem:v0+s25+$0x30 ss:$0x1], $0xffff;
	_ =	sdelay $0x4  }
0xb9: {  	[tilespmem:s25+$0xD630] =	vst.add.f32.msk $0xffff, v1  }
0xba: {  	v1 =	vld.idx.msk [tilespmem:v0+s25+$0x40 ss:$0x1], $0xffff;
	_ =	sdelay $0x4  }
0xbb: {  	[tilespmem:s25+$0xD640] =	vst.add.f32.msk $0xffff, v1  }
0xbc: {  	v1 =	vld.idx.msk [tilespmem:v0+s25+$0x50 ss:$0x1], $0xffff;
	_ =	sdelay $0x4  }
0xbd: {  	[tilespmem:s25+$0xD650] =	vst.add.f32.msk $0xffff, v1  }
0xbe: {  	v1 =	vld.idx.msk [tilespmem:v0+s25+$0x60 ss:$0x1], $0xffff;
	_ =	sdelay $0x4  }
0xbf: {  	[tilespmem:s25+$0xD660] =	vst.add.f32.msk $0xffff, v1  }
0xc0: {  	v1 =	vld.idx.msk [tilespmem:v0+s25+$0x70 ss:$0x1], $0xffff;
	_ =	sdelay $0x4  }
0xc1: {  	[tilespmem:s25+$0xD670] =	vst.add.f32.msk $0xffff, v1  }
0xc2: {  	v1 =	vld.idx.msk [tilespmem:v0+s25+$0x80 ss:$0x1], $0xffff;
	_ =	sdelay $0x4  }
0xc3: {  	[tilespmem:s25+$0xD680] =	vst.add.f32.msk $0xffff, v1  }
0xc4: {  	v1 =	vld.idx.msk [tilespmem:v0+s25+$0x90 ss:$0x1], $0xffff;
	_ =	sdelay $0x4  }
0xc5: {  	[tilespmem:s25+$0xD690] =	vst.add.f32.msk $0xffff, v1  }
0xc6: {  	v1 =	vld.idx.msk [tilespmem:v0+s25+$0xA0 ss:$0x1], $0xffff;
	_ =	sdelay $0x4  }
0xc7: {  	[tilespmem:s25+$0xD6A0] =	vst.add.f32.msk $0xffff, v1  }
0xc8: {  	v1 =	vld.idx.msk [tilespmem:v0+s25+$0xB0 ss:$0x1], $0xffff;
	_ =	sdelay $0x4  }
0xc9: {  	[tilespmem:s25+$0xD6B0] =	vst.add.f32.msk $0xffff, v1  }
0xca: {  	v1 =	vld.idx.msk [tilespmem:v0+s25+$0xC0 ss:$0x1], $0xffff;
	_ =	sdelay $0x4  }
0xcb: {  	[tilespmem:s25+$0xD6C0] =	vst.add.f32.msk $0xffff, v1  }
0xcc: {  	v1 =	vld.idx.msk [tilespmem:v0+s25+$0xD0 ss:$0x1], $0xffff;
	_ =	sdelay $0x4  }
0xcd: {  	[tilespmem:s25+$0xD6D0] =	vst.add.f32.msk $0xffff, v1  }
0xce: {  	v1 =	vld.idx.msk [tilespmem:v0+s25+$0xE0 ss:$0x1], $0xffff;
	_ =	sdelay $0x4  }
0xcf: {  	[tilespmem:s25+$0xD6E0] =	vst.add.f32.msk $0xffff, v1  }
0xd0: {  	v1 =	vld.idx.msk [tilespmem:v0+s25+$0xF0 ss:$0x1], $0xffff;
	_ =	sdelay $0x4  }
0xd1: {  	[tilespmem:s25+$0xD6F0] =	vst.add.f32.msk $0xffff, v1  }
0xd2: {  	v1 =	vld.idx.msk [tilespmem:v0+s25+$0x100 ss:$0x1], $0xffff;
	_ =	sdelay $0x4  }
0xd3: {  	[tilespmem:s25+$0xD700] =	vst.add.f32.msk $0xffff, v1  }
0xd4: {  	v1 =	vld.idx.msk [tilespmem:v0+s25+$0x110 ss:$0x1], $0xffff;
	_ =	sdelay $0x4  }
0xd5: {  	[tilespmem:s25+$0xD710] =	vst.add.f32.msk $0xffff, v1  }
0xd6: {  	v1 =	vld.idx.msk [tilespmem:v0+s25+$0x120 ss:$0x1], $0xffff;
	_ =	sdelay $0x4  }
0xd7: {  	[tilespmem:s25+$0xD720] =	vst.add.f32.msk $0xffff, v1  }
0xd8: {  	v1 =	vld.idx.msk [tilespmem:v0+s25+$0x130 ss:$0x1], $0xffff;
	_ =	sdelay $0x4  }
0xd9: {  	[tilespmem:s25+$0xD730] =	vst.add.f32.msk $0xffff, v1  }
0xda: {  	v1 =	vld.idx.msk [tilespmem:v0+s25+$0x140 ss:$0x1], $0xffff;
	_ =	sdelay $0x4  }
0xdb: {  	[tilespmem:s25+$0xD740] =	vst.add.f32.msk $0xffff, v1  }
0xdc: {  	v1 =	vld.idx.msk [tilespmem:v0+s25+$0x150 ss:$0x1], $0xffff;
	_ =	sdelay $0x4  }
0xdd: {  	[tilespmem:s25+$0xD750] =	vst.add.f32.msk $0xffff, v1  }
0xde: {  	v1 =	vld.idx.msk [tilespmem:v0+s25+$0x160 ss:$0x1], $0xffff;
	_ =	sdelay $0x4  }
0xdf: {  	[tilespmem:s25+$0xD760] =	vst.add.f32.msk $0xffff, v1  }
0xe0: {  	v1 =	vld.idx.msk [tilespmem:v0+s25+$0x170 ss:$0x1], $0xffff;
	_ =	sdelay $0x4  }
0xe1: {  	[tilespmem:s25+$0xD770] =	vst.add.f32.msk $0xffff, v1  }
0xe2: {  	v1 =	vld.idx.msk [tilespmem:v0+s25+$0x180 ss:$0x1], $0xffff;
	_ =	sdelay $0x4  }
0xe3: {  	[tilespmem:s25+$0xD780] =	vst.add.f32.msk $0xffff, v1  }
0xe4: {  	v1 =	vld.idx.msk [tilespmem:v0+s25+$0x190 ss:$0x1], $0xffff;
	_ =	sdelay $0x4  }
0xe5: {  	[tilespmem:s25+$0xD790] =	vst.add.f32.msk $0xffff, v1  }
0xe6: {  	v1 =	vld.idx.msk [tilespmem:v0+s25+$0x1A0 ss:$0x1], $0xffff;
	_ =	sdelay $0x4  }
0xe7: {  	[tilespmem:s25+$0xD7A0] =	vst.add.f32.msk $0xffff, v1  }
0xe8: {  	v1 =	vld.idx.msk [tilespmem:v0+s25+$0x1B0 ss:$0x1], $0xffff;
	_ =	sdelay $0x4  }
0xe9: {  	[tilespmem:s25+$0xD7B0] =	vst.add.f32.msk $0xffff, v1  }
0xea: {  	v1 =	vld.idx.msk [tilespmem:v0+s25+$0x1C0 ss:$0x1], $0xffff;
	_ =	sdelay $0x4  }
0xeb: {  	[tilespmem:s25+$0xD7C0] =	vst.add.f32.msk $0xffff, v1  }
0xec: {  	v1 =	vld.idx.msk [tilespmem:v0+s25+$0x1D0 ss:$0x1], $0xffff;
	_ =	sdelay $0x4  }
0xed: {  	[tilespmem:s25+$0xD7D0] =	vst.add.f32.msk $0xffff, v1  }
0xee: {  	v1 =	vld.idx.msk [tilespmem:v0+s25+$0x1E0 ss:$0x1], $0xffff;
	_ =	sdelay $0x4  }
0xef: {  	[tilespmem:s25+$0xD7E0] =	vst.add.f32.msk $0xffff, v1  }
0xf0: {  	v1 =	vld.idx.msk [tilespmem:v0+s25+$0x1F0 ss:$0x1], $0xffff;
	_ =	sdelay $0x3  }
0xf1: {  	s26 =	simm.s32 $0x0;
	s28 =	simm.s32 $0x800  }
.LBB2_5:
0xf2: {  	s26 =	sadd.s32 $0x8, s26;
	[tilespmem:s25+$0xD7F0] =	vst.add.f32.msk $0xffff, v1;
	s25 =	sshra.s32 s28, $0x2  }
0xf3: {  	v1 =	vld.idx.msk [tilespmem:v0+s25+$0x0 ss:$0x1], $0xffff;
	p0 =	slt.u32 s26, $0x78;
	_ =	sdelay $0x5  }
0xf4: {  	[tilespmem:s25+$0xD600] =	vst.add.f32.msk $0xffff, v1  }
0xf5: {  	v1 =	vld.idx.msk [tilespmem:v0+s25+$0x10 ss:$0x1], $0xffff;
	_ =	sdelay $0x5  }
0xf6: {  	[tilespmem:s25+$0xD610] =	vst.add.f32.msk $0xffff, v1  }
0xf7: {  	v1 =	vld.idx.msk [tilespmem:v0+s25+$0x20 ss:$0x1], $0xffff;
	_ =	sdelay $0x5  }
0xf8: {  	[tilespmem:s25+$0xD620] =	vst.add.f32.msk $0xffff, v1  }
0xf9: {  	v1 =	vld.idx.msk [tilespmem:v0+s25+$0x30 ss:$0x1], $0xffff;
	_ =	sdelay $0x5  }
0xfa: {  	[tilespmem:s25+$0xD630] =	vst.add.f32.msk $0xffff, v1  }
0xfb: {  	v1 =	vld.idx.msk [tilespmem:v0+s25+$0x40 ss:$0x1], $0xffff;
	_ =	sdelay $0x5  }
0xfc: {  	[tilespmem:s25+$0xD640] =	vst.add.f32.msk $0xffff, v1  }
0xfd: {  	v1 =	vld.idx.msk [tilespmem:v0+s25+$0x50 ss:$0x1], $0xffff;
	_ =	sdelay $0x5  }
0xfe: {  	[tilespmem:s25+$0xD650] =	vst.add.f32.msk $0xffff, v1  }
0xff: {  	v1 =	vld.idx.msk [tilespmem:v0+s25+$0x60 ss:$0x1], $0xffff;
	_ =	sdelay $0x5  }
0x100: {  	[tilespmem:s25+$0xD660] =	vst.add.f32.msk $0xffff, v1  }
0x101: {  	v1 =	vld.idx.msk [tilespmem:v0+s25+$0x70 ss:$0x1], $0xffff;
	_ =	sdelay $0x5  }
0x102: {  	[tilespmem:s25+$0xD670] =	vst.add.f32.msk $0xffff, v1  }
0x103: {  	v1 =	vld.idx.msk [tilespmem:v0+s25+$0x80 ss:$0x1], $0xffff;
	_ =	sdelay $0x5  }
0x104: {  	[tilespmem:s25+$0xD680] =	vst.add.f32.msk $0xffff, v1  }
0x105: {  	v1 =	vld.idx.msk [tilespmem:v0+s25+$0x90 ss:$0x1], $0xffff;
	_ =	sdelay $0x5  }
0x106: {  	[tilespmem:s25+$0xD690] =	vst.add.f32.msk $0xffff, v1  }
0x107: {  	v1 =	vld.idx.msk [tilespmem:v0+s25+$0xA0 ss:$0x1], $0xffff;
	_ =	sdelay $0x5  }
0x108: {  	[tilespmem:s25+$0xD6A0] =	vst.add.f32.msk $0xffff, v1  }
0x109: {  	v1 =	vld.idx.msk [tilespmem:v0+s25+$0xB0 ss:$0x1], $0xffff;
	_ =	sdelay $0x5  }
0x10a: {  	[tilespmem:s25+$0xD6B0] =	vst.add.f32.msk $0xffff, v1  }
0x10b: {  	v1 =	vld.idx.msk [tilespmem:v0+s25+$0xC0 ss:$0x1], $0xffff;
	_ =	sdelay $0x5  }
0x10c: {  	[tilespmem:s25+$0xD6C0] =	vst.add.f32.msk $0xffff, v1  }
0x10d: {  	v1 =	vld.idx.msk [tilespmem:v0+s25+$0xD0 ss:$0x1], $0xffff;
	_ =	sdelay $0x5  }
0x10e: {  	[tilespmem:s25+$0xD6D0] =	vst.add.f32.msk $0xffff, v1  }
0x10f: {  	v1 =	vld.idx.msk [tilespmem:v0+s25+$0xE0 ss:$0x1], $0xffff;
	_ =	sdelay $0x5  }
0x110: {  	[tilespmem:s25+$0xD6E0] =	vst.add.f32.msk $0xffff, v1  }
0x111: {  	v1 =	vld.idx.msk [tilespmem:v0+s25+$0xF0 ss:$0x1], $0xffff;
	_ =	sdelay $0x5  }
0x112: {  	[tilespmem:s25+$0xD6F0] =	vst.add.f32.msk $0xffff, v1  }
0x113: {  	v1 =	vld.idx.msk [tilespmem:v0+s25+$0x100 ss:$0x1], $0xffff;
	_ =	sdelay $0x5  }
0x114: {  	[tilespmem:s25+$0xD700] =	vst.add.f32.msk $0xffff, v1  }
0x115: {  	v1 =	vld.idx.msk [tilespmem:v0+s25+$0x110 ss:$0x1], $0xffff;
	_ =	sdelay $0x5  }
0x116: {  	[tilespmem:s25+$0xD710] =	vst.add.f32.msk $0xffff, v1  }
0x117: {  	v1 =	vld.idx.msk [tilespmem:v0+s25+$0x120 ss:$0x1], $0xffff;
	_ =	sdelay $0x5  }
0x118: {  	[tilespmem:s25+$0xD720] =	vst.add.f32.msk $0xffff, v1  }
0x119: {  	v1 =	vld.idx.msk [tilespmem:v0+s25+$0x130 ss:$0x1], $0xffff;
	_ =	sdelay $0x5  }
0x11a: {  	[tilespmem:s25+$0xD730] =	vst.add.f32.msk $0xffff, v1  }
0x11b: {  	v1 =	vld.idx.msk [tilespmem:v0+s25+$0x140 ss:$0x1], $0xffff;
	_ =	sdelay $0x5  }
0x11c: {  	[tilespmem:s25+$0xD740] =	vst.add.f32.msk $0xffff, v1  }
0x11d: {  	v1 =	vld.idx.msk [tilespmem:v0+s25+$0x150 ss:$0x1], $0xffff;
	_ =	sdelay $0x5  }
0x11e: {  	[tilespmem:s25+$0xD750] =	vst.add.f32.msk $0xffff, v1  }
0x11f: {  	v1 =	vld.idx.msk [tilespmem:v0+s25+$0x160 ss:$0x1], $0xffff;
	_ =	sdelay $0x5  }
0x120: {  	[tilespmem:s25+$0xD760] =	vst.add.f32.msk $0xffff, v1  }
0x121: {  	v1 =	vld.idx.msk [tilespmem:v0+s25+$0x170 ss:$0x1], $0xffff;
	_ =	sdelay $0x5  }
0x122: {  	[tilespmem:s25+$0xD770] =	vst.add.f32.msk $0xffff, v1  }
0x123: {  	v1 =	vld.idx.msk [tilespmem:v0+s25+$0x180 ss:$0x1], $0xffff;
	_ =	sdelay $0x5  }
0x124: {  	[tilespmem:s25+$0xD780] =	vst.add.f32.msk $0xffff, v1  }
0x125: {  	v1 =	vld.idx.msk [tilespmem:v0+s25+$0x190 ss:$0x1], $0xffff;
	_ =	sdelay $0x5  }
0x126: {  	[tilespmem:s25+$0xD790] =	vst.add.f32.msk $0xffff, v1  }
0x127: {  	v1 =	vld.idx.msk [tilespmem:v0+s25+$0x1A0 ss:$0x1], $0xffff;
	_ =	sdelay $0x5  }
0x128: {  	[tilespmem:s25+$0xD7A0] =	vst.add.f32.msk $0xffff, v1  }
0x129: {  	v1 =	vld.idx.msk [tilespmem:v0+s25+$0x1B0 ss:$0x1], $0xffff;
	_ =	sdelay $0x5  }
0x12a: {  	[tilespmem:s25+$0xD7B0] =	vst.add.f32.msk $0xffff, v1  }
0x12b: {  	v1 =	vld.idx.msk [tilespmem:v0+s25+$0x1C0 ss:$0x1], $0xffff;
	_ =	sdelay $0x5  }
0x12c: {  	[tilespmem:s25+$0xD7C0] =	vst.add.f32.msk $0xffff, v1  }
0x12d: {  	v1 =	vld.idx.msk [tilespmem:v0+s25+$0x1D0 ss:$0x1], $0xffff;
	_ =	sdelay $0x5  }
0x12e: {  	[tilespmem:s25+$0xD7D0] =	vst.add.f32.msk $0xffff, v1  }
0x12f: {  	v1 =	vld.idx.msk [tilespmem:v0+s25+$0x1E0 ss:$0x1], $0xffff;
	_ =	sdelay $0x5  }
0x130: {  	[tilespmem:s25+$0xD7E0] =	vst.add.f32.msk $0xffff, v1  }
0x131: {  	v1 =	vld.idx.msk [tilespmem:v0+s25+$0x1F0 ss:$0x1], $0xffff  }
.Ltmp1:
0x132: {  	(pc) =	sbr.rel @p0 .LBB2_5-.Ltmp1, $2  }
0x133: {  	_ =	sdelay $0x2  }
0x134: {  	s28 =	sadd.s32 $0x800, s28  }
0x135: {  	s23 =	sadd.s32 $0x1, s23  }
0x136: {  	p0 =	sne.s32 s23, $0x64  }
.Ltmp2:
0x137: {  	s24 =	sadd.s32 s6, s24;
	(pc) =	sbr.rel @p0 .LBB2_2-.Ltmp2, $4  }
0x138: {  	s24 =	sshll.u32 s24, $0x3  }
0x139: {  	s19 =	sadd.s32 $0x4000, s19;
	s22 =	sadd.s32 $0x100, s22;
	s24 =	sand.u32 $0x1FFFFC00, s24  }
0x13a: {  	[tilespmem:s25+$0xD7F0] =	vst.add.f32.msk $0xffff, v1;
	s20 =	sadd.s32 $0x4000, s20;
	s21 =	sadd.s32 $0x100, s21;
	s24 =	sadd.s32 s2, s24  }
0x13b: {  	[hbm4b:s24+s3] =	stream.linear.scatter [tilespmem:s13], [sflag:$0x4], $0x2000, $0x38;
	[tilespmem:$0xF600] =	vst v63  }
0x13c: {  	s18 =	sadd.s32 $0x1, s18  }
0x13d: {  	_ =	swait.ge [sflag:s16], $0x2000;
	p0 =	sne.s32 s18, s8  }
.Ltmp3:
0x13e: {  	[sflag:s16] =	ssyncset.done $0x0;
	(pc) =	sbr.rel @p0 .LBB2_1-.Ltmp3, $4  }
0x13f: {  	[sflag:s16] =	ssyncadd.s32 $0xFFFFE000  }
0x140: {  	_ =	swait.ge [sflag:s17], $0x2000  }
0x141: {  	[sflag:s17] =	ssyncset.done $0x0  }
0x142: {  	[sflag:s17] =	ssyncadd.s32 $0xFFFFE000  }
0x143: {  	_ =	sfence.sel $0x180000  }
0x144: {  	[bflag:$0x0] =	sbarrier.arrive $0xFFFF  }
0x145: {  	p0 =	sne.s32 s0, $0x0;
	_ =	strace $0x90000047  }
0x146: {  	s0 =	sadd.s32 @!p0 $0x100000, s1;
	[bflag:$0x2] =	sbarrier.arrive $0xFFFF  }
0x147: {  	[sflag:s0] =	ssyncadd.tile.s32 @!p0 $0x1;
	_ =	shalt  }
.Lfunc_end2:
_tile_overlayer_lowered:
.L_overlay_start_2:
0x148: {  	(tag) =	ssettag $0x2  }
0x149: {  	s0 =	rddreg [dreg:$0x0];
	s2 =	stileid.u32  }
0x14a: {  	s1 =	rddreg [dreg:$0x1];
	p0 =	sne.s32 s2, $0x0  }
0x14b: {  	s3 =	rddreg [dreg:$0x2];
	[bflag:$0x3] =	sbarrier.arrive $0xFFFF;
	s2 =	simm.s32 @!p0 $0x1C05  }
0x14c: {  	[timem:s3], [sflag:s2] =	dma.local @!p0 [hbm:s0], s1  }
0x14d: {  	s0 =	simm.s32 @!p0 $0x5  }
0x14e: {  	_ =	swait.ge @!p0 [sflag:s0], s1  }
0x14f: {  	s1 =	ssub.s32 @!p0 $0x0, s1;
	[sflag:s0] =	ssyncset.done @!p0 $0x0  }
0x150: {  	[sflag:s0] =	ssyncadd.s32 @!p0 s1  }
0x151: {  	[bflag:$0x3] =	sbarrier.arrive $0xFFFF  }
0x152: {  	_ =	shalt  }

// kernel: sparse-core-data-format-call.cloned.1.call-start
scs
called_computation_lowered:
.L_overlay_start_0:
0x0: {  	s2 =	sld [smem:$0x3FD9]  }
0x1: {  	s3 =	sld [smem:$0x3FFE];
	_ =	sdelay $0x1  }
0x2: {  	s1 =	srdreg.scid  }
0x3: {  	s0 =	sand.u32 $0x1, s1  }
0x4: {  	s18 =	sshll.u32 s0, $0xA;
	s2 =	sadd.s32 s3, s2  }
0x5: {  	s2 =	sadd.s32 s2, s18  }
0x6: {  	[smem:$0x3FC6] =	sst s2  }
0x7: {  	_ = 	snop  }
0x8: {  	s2 =	sld [smem:$0x3FD0];
	(tm) =	ssettm $0x1  }
0x9: {  	s19 =	sld [smem:$0x3FFB];
	_ =	sdelay $0x3  }
0xa: {  	_ =	strace s19  }
0xb: {  	s3 =	sld [smem:$0x3FFC];
	_ =	sdelay $0x3  }
0xc: {  	_ =	strace s3  }
0xd: {  	s3 =	sld [smem:$0x3FFD];
	_ =	sdelay $0x3  }
0xe: {  	_ =	strace s3  }
0xf: {  	_ =	strace $0x8FFFFFFF  }
0x10: {  	s20 =	sld [smem:$0x3FDB];
	_ =	sdelay $0x1  }
0x11: {  	s4 =	simm.s32 $_scs_section_size  }
0x12: {  	s5 =	simm.s32 $_size__tile_overlayer_lowered;
	s6 =	simm.s32 $_tile_overlayer_lowered  }
0x13: {  	s23 =	simm.s32 $0x1BFF;
	s22 =	sshll.u32 s6, $0x1;
	s3 =	sadd.s32 s4, s20  }
0x14: {  	s7 =	simm.s32 $0x0;
	s21 =	sshll.u32 s5, $0x1;
	s5 =	sadd.s32 s22, s3  }
0x15: {  	[timem:s7], [sflag:s23] =	dma.local [hbm:s5], s21  }
0x16: {  	_ =	swait.ge [sflag:s23], s21  }
0x17: {  	s4 =	ssub.s32 $0x0, s21;
	[sflag:s23] =	ssyncset.done $0x0  }
0x18: {  	[sflag:s23] =	ssyncadd.s32 s4;
	_ =	sdelay $0x1  }
0x19: {  	s24 =	simm.s32 $0x1B8B  }
0x1a: {  	_ =	swait.ge [sflag:s24], $0x1  }
0x1b: {  	[sflag:s24] =	ssyncset.done $0x0  }
0x1c: {  	s26 =	simm.s32 $0x1B8E;
	s25 =	sld [smem:$0x3FFE];
	[sflag:s24] =	ssyncadd.s32 $0xFFFFFFFF  }
0x1d: {  	s27 =	simm.s32 $execute0_lowered;
	[smem:$0x3FD2] =	sst s26  }
0x1e: {  	s5 =	sshll.u32 s27, $0x1;
	_ =	strace $0x80000049;
	[dreg:$0x1] =	wrdreg $0xFFFFFFFF  }
0x1f: {  	s28 =	simm.s32 $_size_execute0_lowered;
	s3 =	sadd.s32 s3, s5;
	[dreg:$0x0] =	wrdreg $0x0  }
0x20: {  	s5 =	sshll.u32 s28, $0x1;
	[dreg:$0x2] =	wrdreg s3  }
0x21: {  	[dreg:$0x3] =	wrdreg s5  }
0x22: {  	[dreg:$0x4] =	wrdreg $0xC0  }
0x23: {  	_ =	task [dreg:s7], $0x5FFFF  }
0x24: {  	[dreg:$0x1] =	wrdreg $0xFFFFFFFF  }
0x25: {  	[dreg:$0x0] =	wrdreg $0x60  }
0x26: {  	[dreg:$0x2] =	wrdreg s25  }
0x27: {  	[dreg:$0x3] =	wrdreg s2  }
0x28: {  	[dreg:$0x4] =	wrdreg $0x9  }
0x29: {  	_ =	task.clear_ibuf [dreg:s7], $0x5FFFF;
	_ =	strace $0x90000049  }
0x2a: {  	s29 =	simm.s32 $0x9;
	_ =	strace $0x8000004B  }
0x2b: {  	_ =	swait.ge [sflag:s29], $0x1  }
0x2c: {  	[sflag:s29] =	ssyncadd.s32 $0xFFFFFFFF  }
0x2d: {  	_ =	strace $0x9000004B  }
0x2e: {  	_ =	sfence  }
0x2f: {  	s30 =	sld [smem:$0x0];
	_ =	sdelay $0x2  }
0x30: {  	s31 =	sshll.u32 s1, $0xD;
	s1 =	sshrl.u32 s1, $0x2  }
0x31: {  	s3 =	sand.u32 $0x4000, s31;
	s1 =	sadd.s32 s1, s30  }
0x32: {  	s0 =	sor.u32 s3, s0;
	s1 =	sshll.u32 s1, $0x11  }
0x33: {  	s0 =	sor.u32 s1, s0  }
0x34: {  	s0 =	sadd.s32 $0x8F2B, s0  }
0x35: {  	[sflag:s0] =	ssyncadd.remote.s32 $0x1  }
0x36: {  	_ =	sfence.sel $0xFFFF  }
0x37: {  	[dreg:$0x0] =	wrdreg $0xFFFFFFFF;
	(pc) =	sbr.abs _section_cstart, $3  }
0x38: {  	[dreg:$0x1] =	wrdreg $0xFFFFFFFF  }
0x39: {  	_ =	task.clear_ibuf [dreg:s7], $0x2FFFF;
	_ =	strace $0x9FFFFFFF  }
0x3a: {  	(tm) =	ssettm $0x7FFFFFFF  }
0x3b: {  	_ =	shalt  }
tec
execute0_lowered:
.L_overlay_start_1:
0x0: {  	(tag) =	ssettag $0x1  }
0x1: {  	s0 =	srdreg.scid  }
0x2: {  	s1 =	sshll.u32 s0, $0x4  }
0x3: {  	s0 =	stileid.u32;
	s1 =	sand.u32 $0x10, s1  }
0x4: {  	s1 =	sor.u32 s0, s1  }
0x5: {  	s6 =	rddreg [dreg:$0x0];
	s4 =	simm.s32 $0x1;
	s2 =	sshll.u32 s1, $0x7  }
0x6: {  	s7 =	simm.s32 $0x2;
	s12 =	simm.s32 $0x0;
	s1 =	ssub.s32 $0x1000, s2  }
0x7: {  	s8 =	simm.s32 $0x8000;
	s13 =	simm.s32 $0x0;
	s3 =	sand.u32 $0xF80, s1  }
0x8: {  	s9 =	simm.s32 $0x0;
	s5 =	sshrl.u32 s1, $0xC;
	p0 =	sne.s32 s3, $0x0  }
.Ltmp0:
0x9: {  	s1 =	rddreg [dreg:$0x2];
	s4 =	simm.s32 @!p0 $0x0;
	(pc) =	sbr.rel .LBB1_1-.Ltmp0, $4  }
0xa: {  	s11 =	simm.s32 $0x0;
	s3 =	rddreg [dreg:$0x1];
	s5 =	sadd.s32 s4, s5  }
0xb: {  	_ =	strace $0x8000004A;
	s4 =	simm.s32 $0x1;
	s5 =	smul.u32 $0xC8, s5  }
0xc: {  	s6 =	sadd.s32 $0x400, s6;
	s10 =	smov.u32 s2;
	[sflag:s4] =	ssyncpa.u1 $0x0  }
0xd: {  	p0 =	por $0x0, $0x0;
	[sflag:s7] =	ssyncpa.u1 $0x0;
	s7 =	sor.u32 $0x1, s5  }
.LBB1_4:
0xe: {  	s16 =	sshll.u32 s13, $0x3;
	s17 =	sand.u32 $0x78, s13  }
0xf: {  	s30 =	sand.u32 $0x7E00, s13;
	s12 =	sshll.u32 s12, $0xF;
	s16 =	sand.u32 $0xC00, s16  }
0x10: {  	[tilespmem:s15+$0x810 ss:$0x81] =	vst.msk $0xffff, v2;
	s31 =	sand.u32 $0x7, s13;
	s16 =	sor.u32 s17, s16;
	s17 =	sadd.s32 s3, s30  }
0x11: {  	[tilespmem:s15+$0x1020 ss:$0x81] =	vst.msk $0xffff, v0;
	s13 =	sshll.u32 s31, $0x12;
	s12 =	sadd.s32 s12, s17;
	s16 =	sshrl.u32 s16, $0x3  }
0x12: {  	[tilespmem:s15+$0x0 ss:$0x81] =	vst.msk $0xffff, v1;
	s13 =	sor.u32 $0x400, s13;
	s12 =	sadd.s32 s16, s12  }
0x13: {  	[hbm4b:s12+s13] =	stream.strided.scatter [tilespmem:s14], [sflag:$0x2], $0x2000, s8, s13, $0x20;
	[tilespmem:$0x8080] =	vst v63  }
.LBB1_5:
0x14: {  	s14 =	sadd.s32 $0x1, s9  }
0x15: {  	s12 =	sadd.s32 $0x1000, s10;
	s16 =	smov.u32 s10;
	p2 =	sgt.s32 s14, $0xC7  }
0x16: {  	s16 =	smov.u32 @p2 s12  }
0x17: {  	s14 =	simm.s32 @p2 $0x0;
	p2 =	sgt.s32 s16, $0xFFF  }
0x18: {  	s16 =	smov.u32 @p2 s2;
	p2 =	sne.s32 s11, s7  }
.Ltmp1:
0x19: {  	p1 =	slt.u32 s11, $0x2;
	(pc) =	sbr.rel @!p2 .LBB1_6-.Ltmp1, $4  }
0x1a: {  	s15 =	simm.s32 @!p1 $0x2  }
0x1b: {  	s13 =	smov.u32 s10;
	p0 =	por !p0, !p0;
	_ =	swait.ge @!p1 [sflag:s15], $0x2000  }
0x1c: {  	s12 =	smov.u32 s9;
	[sflag:s15] =	ssyncset.done @!p1 $0x0;
	s9 =	smov.u32 s14  }
0x1d: {  	s11 =	sadd.s32 $0x1, s11;
	[sflag:s15] =	ssyncadd.s32 @!p1 $0xFFFFE000;
	s10 =	smov.u32 s16  }
.LBB1_1:
0x1e: {  	p1 =	sge.u32 s11, s5  }
0x1f: {  	s14 =	sand.u32 @!p1 $0x1FFFFFF, s9  }
0x20: {  	s15 =	smulhi.u32 @!p1 $0x147AE15, s14;
	_ =	sdelay $0x1  }
0x21: {  	s15 =	smul.u32 @!p1 $0xC8, s15  }
0x22: {  	s16 =	sxor.u32 @!p1 $0xFFFFFFFF, s11;
	s17 =	smul.u32 @!p1 $0xC80, s10  }
0x23: {  	s31 =	sadd.s32 $0xFFFFFFFF, s11;
	s16 =	sshll.u32 @!p1 s16, $0xD;
	s14 =	ssub.s32 @!p1 s14, s15  }
0x24: {  	s15 =	sand.u32 @!p1 $0x2000, s16;
	s16 =	sadd.s32 @!p1 s6, s17;
	s14 =	sshll.u32 @!p1 s14, $0x4  }
0x25: {  	s17 =	simm.s32 @!p1 $0x6400;
	s14 =	sadd.s32 @!p1 s14, s16;
	s16 =	simm.s32 @!p1 $0x40  }
0x26: {  	[tilespmem:s15], [sflag:$0x1] =	stream.strided.gather @!p1 [hbm4b:s14+s16], $0x2000, s17, s16, $0x38;
	[tilespmem:$0x8080] =	vst v63  }
0x27: {  	p1 =	sge.u32 s31, s5  }
.Ltmp2:
0x28: {  	_ = 	snop;
	(pc) =	sbr.rel @p1 .LBB1_5-.Ltmp2, $1  }
0x29: {  	_ =	sdelay $0x3  }
0x2a: {  	s14 =	simm.s32 $0x1  }
0x2b: {  	_ =	swait.ge [sflag:s4], $0x2000;
	s14 =	simm.s32 @!p0 $0x0  }
0x2c: {  	[sflag:s4] =	ssyncset.done $0x0;
	s15 =	sshll.u32 s14, $0xD  }
0x2d: {  	[sflag:s4] =	ssyncadd.s32 $0xFFFFE000;
	s18 =	sor.u32 $0x20, s15  }
0x2e: {  	s14 =	smul.u32 $0x8100, s14;
	v3 =	vld [tilespmem:s18+$0x10]  }
0x2f: {  	s30 =	sand.u32 $0x1, s11;
	v2 =	vld [tilespmem:s18+$0xFFFFFFF0]  }
0x30: {  	s15 =	smul.u32 $0x8100, s30;
	s14 =	sshrl.u32 s14, $0x2;
	v0 =	vld [tilespmem:s18+$0x0]  }
0x31: {  	v1 =	vld [tilespmem:s18+$0xFFFFFFE0];
	s16 =	sor.u32 $0x4000, s14  }
0x32: {  	s31 =	sshrl.u32 s15, $0x2;
	s15 =	sadd.s32 $0x0, s16  }
0x33: {  	s17 =	simm.s32 $0x4;
	s18 =	sadd.s32 $0x40, s18;
	s14 =	sor.u32 $0x4000, s31;
	[tilespmem:s15+$0x1830 ss:$0x81] =	vst.msk $0xffff, v3  }
.LBB1_3:
0x34: {  	v3 =	vld [tilespmem:s18+$0x10];
	p1 =	sne.s32 s17, $0x1FC;
	[tilespmem:s15+$0x810 ss:$0x81] =	vst.msk $0xffff, v2;
	s19 =	smov.u32 s17;
	s17 =	sadd.s32 $0x4, s17  }
.Ltmp3:
0x35: {  	v2 =	vld [tilespmem:s18+$0xFFFFFFF0];
	[tilespmem:s15+$0x1020 ss:$0x81] =	vst.msk $0xffff, v0;
	(pc) =	sbr.rel @p1 .LBB1_3-.Ltmp3, $4  }
0x36: {  	v0 =	vld [tilespmem:s18+$0x0];
	[tilespmem:s15+$0x0 ss:$0x81] =	vst.msk $0xffff, v1  }
0x37: {  	s15 =	sshra.s32 s19, $0x2;
	v1 =	vld [tilespmem:s18+$0xFFFFFFE0]  }
0x38: {  	s15 =	sadd.s32 s15, s16  }
0x39: {  	s18 =	sadd.s32 $0x40, s18;
	[tilespmem:s15+$0x1830 ss:$0x81] =	vst.msk $0xffff, v3  }
.Ltmp4:
0x3a: {  	_ = 	snop;
	(pc) =	sbr.rel .LBB1_4-.Ltmp4, $1  }
0x3b: {  	_ =	sdelay $0x3  }
.LBB1_6:
0x3c: {  	_ =	sfence.sel $0x180000  }
0x3d: {  	s2 =	simm.s32 $0x1;
	[bflag:$0x0] =	sbarrier.arrive $0xFFFF  }
0x3e: {  	s31 =	simm.s32 $0x2;
	[sflag:s2] =	ssyncpa.u1 $0x1  }
0x3f: {  	[sflag:s31] =	ssyncpa.u1 $0x1  }
0x40: {  	p0 =	sne.s32 s0, $0x0;
	_ =	strace $0x9000004A  }
0x41: {  	s0 =	sadd.s32 @!p0 $0x100000, s1;
	[bflag:$0x2] =	sbarrier.arrive $0xFFFF  }
0x42: {  	[sflag:s0] =	ssyncadd.tile.s32 @!p0 $0x1;
	_ =	shalt  }
.Lfunc_end1:
_tile_overlayer_lowered:
.L_overlay_start_2:
0x43: {  	(tag) =	ssettag $0x2  }
0x44: {  	s0 =	rddreg [dreg:$0x0];
	s2 =	stileid.u32  }
0x45: {  	s1 =	rddreg [dreg:$0x1];
	p0 =	sne.s32 s2, $0x0  }
0x46: {  	s3 =	rddreg [dreg:$0x2];
	[bflag:$0x3] =	sbarrier.arrive $0xFFFF;
	s2 =	simm.s32 @!p0 $0x1C01  }
0x47: {  	[timem:s3], [sflag:s2] =	dma.local @!p0 [hbm:s0], s1  }
0x48: {  	s0 =	simm.s32 @!p0 $0x1  }
0x49: {  	_ =	swait.ge @!p0 [sflag:s0], s1  }
0x4a: {  	s1 =	ssub.s32 @!p0 $0x0, s1;
	[sflag:s0] =	ssyncset.done @!p0 $0x0  }
0x4b: {  	[sflag:s0] =	ssyncadd.s32 @!p0 s1  }
0x4c: {  	[bflag:$0x3] =	sbarrier.arrive $0xFFFF  }
0x4d: {  	_ =	shalt  }

</sc_bundles>
